<compile_context>
chip_gen: v7x
topology: tpu7x:2x2x1
jax: 0.10.2.dev20260603
libtpu: 0.0.44.dev20260713+nightly
codegen_flags: <defaults>
</compile_context>

<pallas_src>
import functools

import jax
import jax.numpy as jnp
import numpy as np
from jax import lax
from jax.experimental import pallas as pl
from jax.experimental.pallas import tpu as pltpu
from jax.experimental.pallas import tpu_sc as plsc

N_NODES = 10000
N_EDGES = 160000
C = 16

NC = 2
NS = 16
NW = NC * NS
CHUNK = 100
EPW = N_EDGES // NW
NCH = EPW // CHUNK
EPT = N_EDGES // NS
NCHS = EPT // CHUNK
HALF_E = EPT // 2
HALF = NCHS // 2
STRIPE = 640
LAST_STRIPE = N_NODES - STRIPE * (NS - 1)

PK = 8
EROWS = N_EDGES // PK
NROWS = N_NODES // PK
_REP = np.repeat(np.eye(C, dtype=np.float32), C, axis=1)
_SUM = np.tile(np.eye(C, dtype=np.float32), (C, 1))
_REP8 = np.kron(np.eye(PK, dtype=np.float32), _REP)
_SUM8 = np.kron(np.eye(PK, dtype=np.float32), _SUM)

_mesh = plsc.VectorSubcoreMesh(core_axis_name="c", subcore_axis_name="s")
_sc_params = pltpu.CompilerParams(use_tc_tiling_on_sc=False, needs_layout_passes=False)


TCH = 1000
TROUNDS = EPW // TCH


@functools.partial(
    pl.kernel,
    out_type=[
        jax.ShapeDtypeStruct((N_EDGES, C), jnp.float32),
        jax.ShapeDtypeStruct((N_EDGES, C), jnp.float32),
    ],
    mesh=_mesh,
    scratch_types=[
        pltpu.VMEM((NCH, CHUNK), jnp.int32),
        pltpu.VMEM((EPW, C), jnp.float32),
        pltpu.VMEM((C, TCH), jnp.float32),
        pltpu.VMEM((TCH, C), jnp.float32),
        pltpu.SemaphoreType.DMA,
    ],
    compiler_params=_sc_params,
)
def _gather_k(h_hbm, idx_hbm, et_hbm, out_hbm, ep_hbm, idx_v, rows_v, et_v,
              ep_v, sem):
    wid = lax.axis_index("s") * NC + lax.axis_index("c")
    pltpu.sync_copy(idx_hbm.at[wid], idx_v)
    G = 10

    def body(g, carry):
        j0 = g * G
        descs = [
            pltpu.async_copy(
                h_hbm.at[idx_v.at[j0 + j]],
                rows_v.at[pl.ds((j0 + j) * CHUNK, CHUNK)],
                sem,
            )
            for j in range(G)
        ]
        for d in descs:
            d.wait()
        return carry

    lax.fori_loop(0, NCH // G, body, 0)
    pltpu.sync_copy(rows_v, out_hbm.at[pl.ds(wid * EPW, EPW)])

    lanes = lax.iota(jnp.int32, C)

    def tround(q, carry):
        base = wid * EPW + q * TCH
        pltpu.sync_copy(et_hbm.at[:, pl.ds(base, TCH)], et_v)

        def tbody(k, c2):
            ep_v[k] = plsc.load_gather(et_v, [lanes, jnp.full((C,), k, jnp.int32)])
            return c2

        lax.fori_loop(0, TCH, tbody, 0, unroll=4)
        pltpu.sync_copy(ep_v, ep_hbm.at[pl.ds(base, TCH)])
        return carry

    lax.fori_loop(0, TROUNDS, tround, 0)


@functools.partial(
    pl.kernel,
    out_type=jax.ShapeDtypeStruct((N_NODES, C), jnp.float32),
    mesh=_mesh,
    scratch_types=[
        pltpu.VMEM((HALF, CHUNK), jnp.int32),
        pltpu.VMEM((HALF_E, C), jnp.float32),
        pltpu.VMEM_SHARED((N_NODES, C), jnp.float32),
        pltpu.SemaphoreType.DMA,
    ],
    compiler_params=_sc_params,
)
def _scatter_k(m_hbm, dst_hbm, base_hbm, out_hbm, idx_v, m_v, acc, sem):
    sid = lax.axis_index("s")
    cid = lax.axis_index("c")

    @pl.when(cid == 0)
    def _():
        row0 = sid * STRIPE

        @pl.when(sid < NS - 1)
        def _():
            pltpu.sync_copy(base_hbm.at[pl.ds(row0, STRIPE)],
                            acc.at[pl.ds(row0, STRIPE)])

        @pl.when(sid == NS - 1)
        def _():
            pltpu.sync_copy(base_hbm.at[pl.ds(row0, LAST_STRIPE)],
                            acc.at[pl.ds(row0, LAST_STRIPE)])

        plsc.subcore_barrier()

        def half(p):
            pltpu.sync_copy(dst_hbm.at[sid, pl.ds(p * HALF, HALF)], idx_v)
            pltpu.sync_copy(
                m_hbm.at[pl.ds(sid * EPT + p * HALF_E, HALF_E)], m_v
            )

            G = 10

            def body(g, carry):
                j0 = g * G
                descs = [
                    pltpu.async_copy(
                        m_v.at[pl.ds((j0 + j) * CHUNK, CHUNK)],
                        acc.at[idx_v.at[j0 + j]],
                        sem,
                        add=True,
                    )
                    for j in range(G)
                ]
                for d in descs:
                    d.wait()
                return carry

            lax.fori_loop(0, HALF // G, body, 0)

        half(0)
        half(1)
        plsc.subcore_barrier()

        @pl.when(sid < NS - 1)
        def _():
            pltpu.sync_copy(acc.at[pl.ds(row0, STRIPE)],
                            out_hbm.at[pl.ds(row0, STRIPE)])

        @pl.when(sid == NS - 1)
        def _():
            pltpu.sync_copy(acc.at[pl.ds(row0, LAST_STRIPE)],
                            out_hbm.at[pl.ds(row0, LAST_STRIPE)])


def _messages_body(hsp_ref, ep_ref, ew8_ref, b8_ref, hp_ref, root8_ref,
                   bias8_ref, rep8_ref, sum8_ref, m_ref, ob_ref):
    w = jnp.dot(ep_ref[...], ew8_ref[...], preferred_element_type=jnp.float32) + b8_ref[...]
    hr = jnp.dot(hsp_ref[...], rep8_ref[...], preferred_element_type=jnp.float32)
    m_ref[...] = jnp.dot(hr * w, sum8_ref[...], preferred_element_type=jnp.float32)

    @pl.when(pl.program_id(0) == 0)
    def _():
        ob_ref[...] = (
            jnp.dot(hp_ref[...], root8_ref[...], preferred_element_type=jnp.float32)
            + bias8_ref[...]
        )


def _messages(hs_pack, e_pack, edge_w, edge_b, h_pack, root, bias):
    BLKP = 2000
    grid = (EROWS // BLKP,)
    full = lambda shape: pl.BlockSpec(shape, lambda i: tuple(0 for _ in shape))
    ew8 = jnp.kron(jnp.eye(PK, dtype=jnp.float32), edge_w)
    b8 = jnp.tile(edge_b, PK).reshape(1, PK * C * C)
    root8 = jnp.kron(jnp.eye(PK, dtype=jnp.float32), root)
    bias8 = jnp.tile(bias, PK).reshape(1, PK * C)
    return pl.pallas_call(
        _messages_body,
        grid=grid,
        in_specs=[
            pl.BlockSpec((BLKP, PK * C), lambda i: (i, 0)),
            pl.BlockSpec((BLKP, PK * C), lambda i: (i, 0)),
            full((PK * C, PK * C * C)),
            full((1, PK * C * C)),
            full((NROWS, PK * C)),
            full((PK * C, PK * C)),
            full((1, PK * C)),
            full((PK * C, PK * C * C)),
            full((PK * C * C, PK * C)),
        ],
        out_specs=[
            pl.BlockSpec((BLKP, PK * C), lambda i: (i, 0)),
            full((NROWS, PK * C)),
        ],
        out_shape=[
            jax.ShapeDtypeStruct((EROWS, PK * C), jnp.float32),
            jax.ShapeDtypeStruct((NROWS, PK * C), jnp.float32),
        ],
    )(hs_pack, e_pack, ew8, b8, h_pack, root8, bias8,
      jnp.asarray(_REP8), jnp.asarray(_SUM8))


def kernel(h, e, edge_index, edge_w, edge_b, root, bias):
    src = edge_index[0].reshape(NW, NCH, CHUNK)
    dst = edge_index[1].reshape(NS, NCHS, CHUNK)
    h_src, e_pack = _gather_k(h, src, e.T)
    m_pack, ob_pack = _messages(
        h_src.reshape(EROWS, PK * C),
        e_pack.reshape(EROWS, PK * C),
        edge_w, edge_b,
        h.reshape(NROWS, PK * C),
        root, bias,
    )
    return _scatter_k(
        m_pack.reshape(N_EDGES, C), dst, ob_pack.reshape(N_NODES, C)
    )

# --- scband reference (transcript-rebuilt; emitter-appended) ---
"""Pipeline reference for scband-nnconv-layer-20358144983431 (READ-ONLY COPY).

The authoritative reference and input builder live on the scoring server;
editing this copy changes nothing except your own understanding.
"""

import jax, jax.numpy as jnp
import numpy as np

N_NODES = 10000
N_EDGES = 160000
IN_CH = 16
OUT_CH = 16
D_EDGE = 16


def setup_inputs(seed: int = 0) -> dict:
    key = jax.random.key(seed)
    k1, k2, k3, k4, k5 = jax.random.split(key, 5)
    h = jax.random.normal(k1, (N_NODES, IN_CH), dtype=jnp.float32)
    e = jax.random.normal(k2, (N_EDGES, D_EDGE), dtype=jnp.float32)
    edge_index = jax.random.randint(k3, (2, N_EDGES), 0, N_NODES, dtype=jnp.int32)
    # edge_net: single Linear(D_EDGE, IN_CH*OUT_CH), xavier_normal with gain 1.414
    gain = 1.414
    std_edge = gain * np.sqrt(2.0 / (D_EDGE + IN_CH * OUT_CH))
    edge_w = jax.random.normal(k4, (D_EDGE, IN_CH * OUT_CH), dtype=jnp.float32) * std_edge
    edge_b = jnp.zeros((IN_CH * OUT_CH,), dtype=jnp.float32)
    # root weight: xavier_normal with gain 1.414
    std_root = gain * np.sqrt(2.0 / (IN_CH + OUT_CH))
    root = jax.random.normal(k5, (IN_CH, OUT_CH), dtype=jnp.float32) * std_root
    bias = jnp.zeros((OUT_CH,), dtype=jnp.float32)
    return {"h": h, "e": e, "edge_index": edge_index, "edge_w": edge_w,
            "edge_b": edge_b, "root": root, "bias": bias}


def reference(h, e, edge_index, edge_w, edge_b, root, bias):
    # edge_net(e) -> per-edge weight matrices [E, IN_CH, OUT_CH]
    w = (e @ edge_w + edge_b).reshape(-1, IN_CH, OUT_CH)
    src = edge_index[0]
    dst = edge_index[1]
    # message: src node feature times per-edge weight matrix
    h_src = jnp.take(h, src, axis=0)                      # gather  [E, IN_CH]
    m = jnp.einsum('ei,eio->eo', h_src, w)                # [E, OUT_CH]
    # reduce: sum over incoming edges per destination node (aggr='add')
    aggr_out = jax.ops.segment_sum(m, dst, num_segments=N_NODES)  # scatter-add [N, OUT_CH]
    # apply_node_func: root transform + bias
    out = h @ root + aggr_out + bias
    return out

if __name__ == "__main__":
    import jax
    _d = setup_inputs()
    print(jax.jit(kernel)(*tuple(_d.values())))

</pallas_src>

<mosaic_0001>
#map = affine_map<(d0, d1) -> (0, 0)>
#map1 = affine_map<(d0, d1) -> (0, 0, 0)>
module attributes {stable_mosaic.version = 14 : i64} {
  func.func @_gather_k(%arg0: i32, %arg1: i32, %arg2: memref<10000x16xf32, #tpu.memory_space<hbm>>, %arg3: memref<32x50x100xi32, #tpu.memory_space<hbm>>, %arg4: memref<16x160000xf32, #tpu.memory_space<hbm>>, %arg5: memref<160000x16xf32, #tpu.memory_space<hbm>>, %arg6: memref<160000x16xf32, #tpu.memory_space<hbm>>, %arg7: memref<50x100xi32, #tpu.memory_space<vmem>>, %arg8: memref<5000x16xf32, #tpu.memory_space<vmem>>, %arg9: memref<16x1000xf32, #tpu.memory_space<vmem>>, %arg10: memref<1000x16xf32, #tpu.memory_space<vmem>>, %arg11: memref<!tpu.dma_semaphore, #tpu.memory_space<semaphore_mem>>) attributes {dimension_semantics = [#tpu.dimension_semantics<core_parallel>, #tpu.dimension_semantics<subcore_parallel>], iteration_bounds = array<i64: 2, 16>, scalar_prefetch = 0 : i64, scratch_operands = 5 : i64, tpu.core_type = #tpu.core_type<sc_vector_subcore>, window_params = [{transform_indices = #map}, {transform_indices = #map1}, {transform_indices = #map}, {transform_indices = #map}, {transform_indices = #map}]} {
    %mul3A = arith.constant 2 : i32
    %mul3A_0 = arith.muli %arg1, %mul3A : i32
    %add3A = arith.addi %mul3A_0, %arg0 : i32
    "tpu.region"() ({
      %run_scoped3A = tpu.sem_alloc : memref<!tpu.dma_semaphore, #tpu.memory_space<semaphore_mem>>
      %dma_start3A = arith.constant 0 : i32
      %dma_start3A_14 = arith.constant 0 : i32
      %dma_start3A_15 = tpu.memref_slice %arg3[%add3A, %dma_start3A, %dma_start3A_14] : memref<32x50x100xi32, #tpu.memory_space<hbm>> -> memref<1x50x100xi32, #tpu.memory_space<hbm>>
      %dma_start3A_16 = tpu.memref_squeeze %dma_start3A_15 : memref<1x50x100xi32, #tpu.memory_space<hbm>> -> memref<50x100xi32, #tpu.memory_space<hbm>>
      %dma_start3A_17 = arith.constant 0 : i32
      %dma_start3A_18 = arith.constant 0 : i32
      %dma_start3A_19 = tpu.memref_slice %arg3[%add3A, %dma_start3A_17, %dma_start3A_18] : memref<32x50x100xi32, #tpu.memory_space<hbm>> -> memref<1x50x100xi32, #tpu.memory_space<hbm>>
      %dma_start3A_20 = tpu.memref_squeeze %dma_start3A_19 : memref<1x50x100xi32, #tpu.memory_space<hbm>> -> memref<50x100xi32, #tpu.memory_space<hbm>>
      tpu.enqueue_dma source(%dma_start3A_20 : memref<50x100xi32, #tpu.memory_space<hbm>>) target(%arg7 : memref<50x100xi32, #tpu.memory_space<vmem>>) target_semaphore(%run_scoped3A : memref<!tpu.dma_semaphore, #tpu.memory_space<semaphore_mem>>)
      %dma_wait3A = arith.constant 0 : i32
      %dma_wait3A_21 = arith.constant 0 : i32
      %dma_wait3A_22 = tpu.memref_slice %arg3[%add3A, %dma_wait3A, %dma_wait3A_21] : memref<32x50x100xi32, #tpu.memory_space<hbm>> -> memref<1x50x100xi32, #tpu.memory_space<hbm>>
      %dma_wait3A_23 = tpu.memref_squeeze %dma_wait3A_22 : memref<1x50x100xi32, #tpu.memory_space<hbm>> -> memref<50x100xi32, #tpu.memory_space<hbm>>
      %dma_wait3A_24 = arith.constant 0 : i32
      %dma_wait3A_25 = arith.constant 0 : i32
      %dma_wait3A_26 = tpu.memref_slice %arg3[%add3A, %dma_wait3A_24, %dma_wait3A_25] : memref<32x50x100xi32, #tpu.memory_space<hbm>> -> memref<1x50x100xi32, #tpu.memory_space<hbm>>
      %dma_wait3A_27 = tpu.memref_squeeze %dma_wait3A_26 : memref<1x50x100xi32, #tpu.memory_space<hbm>> -> memref<50x100xi32, #tpu.memory_space<hbm>>
      tpu.wait_dma2 semaphore(%run_scoped3A : memref<!tpu.dma_semaphore, #tpu.memory_space<semaphore_mem>>) src(%dma_wait3A_27 : memref<50x100xi32, #tpu.memory_space<hbm>>) dst(%arg7 : memref<50x100xi32, #tpu.memory_space<vmem>>)
      tpu.yield
    }) : () -> ()
    %scan3A = arith.constant 0 : i32
    %scan3A_1 = arith.constant 0 : i32
    %scan3A_2 = arith.constant 5 : i32
    %scan3A_3 = arith.addi %scan3A_1, %scan3A_2 : i32
    %scan3A_4 = arith.constant 1 : i32
    scf.for %scan3A_14 = %scan3A_1 to %scan3A_3 step %scan3A_4  : i32 {
      %mul3A_15 = arith.constant 10 : i32
      %mul3A_16 = arith.muli %scan3A_14, %mul3A_15 : i32
      %add3A_17 = arith.constant 0 : i32
      %add3A_18 = arith.addi %mul3A_16, %add3A_17 : i32
      %add3A_19 = arith.constant 0 : i32
      %add3A_20 = arith.addi %mul3A_16, %add3A_19 : i32
      %mul3A_21 = arith.constant 100 : i32
      %mul3A_22 = arith.muli %add3A_20, %mul3A_21 : i32
      %dma_start3A = arith.constant 0 : i32
      %dma_start3A_23 = tpu.memref_slice %arg8[%mul3A_22, %dma_start3A] : memref<5000x16xf32, #tpu.memory_space<vmem>> -> memref<100x16xf32, #tpu.memory_space<vmem>>
      %dma_start3A_24 = arith.constant 0 : i32
      %dma_start3A_25 = tpu.memref_slice %arg7[%add3A_18, %dma_start3A_24] : memref<50x100xi32, #tpu.memory_space<vmem>> -> memref<1x100xi32, #tpu.memory_space<vmem>>
      %dma_start3A_26 = tpu.memref_squeeze %dma_start3A_25 : memref<1x100xi32, #tpu.memory_space<vmem>> -> memref<100xi32, #tpu.memory_space<vmem>>
      %dma_start3A_27 = arith.constant 0 : i32
      %dma_start3A_28 = arith.constant 0 : i32
      %dma_start3A_29 = tpu.memref_slice %arg2[%dma_start3A_27, %dma_start3A_28] : memref<10000x16xf32, #tpu.memory_space<hbm>> -> memref<10000x16xf32, #tpu.memory_space<hbm>>
      tpu.enqueue_indirect_dma source(%dma_start3A_29 : memref<10000x16xf32, #tpu.memory_space<hbm>>) target(%dma_start3A_23 : memref<100x16xf32, #tpu.memory_space<vmem>>) offsets(%dma_start3A_26 : memref<100xi32, #tpu.memory_space<vmem>>) semaphore(%arg11 : memref<!tpu.dma_semaphore, #tpu.memory_space<semaphore_mem>>)
      %add3A_30 = arith.constant 1 : i32
      %add3A_31 = arith.addi %mul3A_16, %add3A_30 : i32
      %add3A_32 = arith.constant 1 : i32
      %add3A_33 = arith.addi %mul3A_16, %add3A_32 : i32
      %mul3A_34 = arith.constant 100 : i32
      %mul3A_35 = arith.muli %add3A_33, %mul3A_34 : i32
      %dma_start3A_36 = arith.constant 0 : i32
      %dma_start3A_37 = tpu.memref_slice %arg8[%mul3A_35, %dma_start3A_36] : memref<5000x16xf32, #tpu.memory_space<vmem>> -> memref<100x16xf32, #tpu.memory_space<vmem>>
      %dma_start3A_38 = arith.constant 0 : i32
      %dma_start3A_39 = tpu.memref_slice %arg7[%add3A_31, %dma_start3A_38] : memref<50x100xi32, #tpu.memory_space<vmem>> -> memref<1x100xi32, #tpu.memory_space<vmem>>
      %dma_start3A_40 = tpu.memref_squeeze %dma_start3A_39 : memref<1x100xi32, #tpu.memory_space<vmem>> -> memref<100xi32, #tpu.memory_space<vmem>>
      %dma_start3A_41 = arith.constant 0 : i32
      %dma_start3A_42 = arith.constant 0 : i32
      %dma_start3A_43 = tpu.memref_slice %arg2[%dma_start3A_41, %dma_start3A_42] : memref<10000x16xf32, #tpu.memory_space<hbm>> -> memref<10000x16xf32, #tpu.memory_space<hbm>>
      tpu.enqueue_indirect_dma source(%dma_start3A_43 : memref<10000x16xf32, #tpu.memory_space<hbm>>) target(%dma_start3A_37 : memref<100x16xf32, #tpu.memory_space<vmem>>) offsets(%dma_start3A_40 : memref<100xi32, #tpu.memory_space<vmem>>) semaphore(%arg11 : memref<!tpu.dma_semaphore, #tpu.memory_space<semaphore_mem>>)
      %add3A_44 = arith.constant 2 : i32
      %add3A_45 = arith.addi %mul3A_16, %add3A_44 : i32
      %add3A_46 = arith.constant 2 : i32
      %add3A_47 = arith.addi %mul3A_16, %add3A_46 : i32
      %mul3A_48 = arith.constant 100 : i32
      %mul3A_49 = arith.muli %add3A_47, %mul3A_48 : i32
      %dma_start3A_50 = arith.constant 0 : i32
      %dma_start3A_51 = tpu.memref_slice %arg8[%mul3A_49, %dma_start3A_50] : memref<5000x16xf32, #tpu.memory_space<vmem>> -> memref<100x16xf32, #tpu.memory_space<vmem>>
      %dma_start3A_52 = arith.constant 0 : i32
      %dma_start3A_53 = tpu.memref_slice %arg7[%add3A_45, %dma_start3A_52] : memref<50x100xi32, #tpu.memory_space<vmem>> -> memref<1x100xi32, #tpu.memory_space<vmem>>
      %dma_start3A_54 = tpu.memref_squeeze %dma_start3A_53 : memref<1x100xi32, #tpu.memory_space<vmem>> -> memref<100xi32, #tpu.memory_space<vmem>>
      %dma_start3A_55 = arith.constant 0 : i32
      %dma_start3A_56 = arith.constant 0 : i32
      %dma_start3A_57 = tpu.memref_slice %arg2[%dma_start3A_55, %dma_start3A_56] : memref<10000x16xf32, #tpu.memory_space<hbm>> -> memref<10000x16xf32, #tpu.memory_space<hbm>>
      tpu.enqueue_indirect_dma source(%dma_start3A_57 : memref<10000x16xf32, #tpu.memory_space<hbm>>) target(%dma_start3A_51 : memref<100x16xf32, #tpu.memory_space<vmem>>) offsets(%dma_start3A_54 : memref<100xi32, #tpu.memory_space<vmem>>) semaphore(%arg11 : memref<!tpu.dma_semaphore, #tpu.memory_space<semaphore_mem>>)
      %add3A_58 = arith.constant 3 : i32
      %add3A_59 = arith.addi %mul3A_16, %add3A_58 : i32
      %add3A_60 = arith.constant 3 : i32
      %add3A_61 = arith.addi %mul3A_16, %add3A_60 : i32
      %mul3A_62 = arith.constant 100 : i32
      %mul3A_63 = arith.muli %add3A_61, %mul3A_62 : i32
      %dma_start3A_64 = arith.constant 0 : i32
      %dma_start3A_65 = tpu.memref_slice %arg8[%mul3A_63, %dma_start3A_64] : memref<5000x16xf32, #tpu.memory_space<vmem>> -> memref<100x16xf32, #tpu.memory_space<vmem>>
      %dma_start3A_66 = arith.constant 0 : i32
      %dma_start3A_67 = tpu.memref_slice %arg7[%add3A_59, %dma_start3A_66] : memref<50x100xi32, #tpu.memory_space<vmem>> -> memref<1x100xi32, #tpu.memory_space<vmem>>
      %dma_start3A_68 = tpu.memref_squeeze %dma_start3A_67 : memref<1x100xi32, #tpu.memory_space<vmem>> -> memref<100xi32, #tpu.memory_space<vmem>>
      %dma_start3A_69 = arith.constant 0 : i32
      %dma_start3A_70 = arith.constant 0 : i32
      %dma_start3A_71 = tpu.memref_slice %arg2[%dma_start3A_69, %dma_start3A_70] : memref<10000x16xf32, #tpu.memory_space<hbm>> -> memref<10000x16xf32, #tpu.memory_space<hbm>>
      tpu.enqueue_indirect_dma source(%dma_start3A_71 : memref<10000x16xf32, #tpu.memory_space<hbm>>) target(%dma_start3A_65 : memref<100x16xf32, #tpu.memory_space<vmem>>) offsets(%dma_start3A_68 : memref<100xi32, #tpu.memory_space<vmem>>) semaphore(%arg11 : memref<!tpu.dma_semaphore, #tpu.memory_space<semaphore_mem>>)
      %add3A_72 = arith.constant 4 : i32
      %add3A_73 = arith.addi %mul3A_16, %add3A_72 : i32
      %add3A_74 = arith.constant 4 : i32
      %add3A_75 = arith.addi %mul3A_16, %add3A_74 : i32
      %mul3A_76 = arith.constant 100 : i32
      %mul3A_77 = arith.muli %add3A_75, %mul3A_76 : i32
      %dma_start3A_78 = arith.constant 0 : i32
      %dma_start3A_79 = tpu.memref_slice %arg8[%mul3A_77, %dma_start3A_78] : memref<5000x16xf32, #tpu.memory_space<vmem>> -> memref<100x16xf32, #tpu.memory_space<vmem>>
      %dma_start3A_80 = arith.constant 0 : i32
      %dma_start3A_81 = tpu.memref_slice %arg7[%add3A_73, %dma_start3A_80] : memref<50x100xi32, #tpu.memory_space<vmem>> -> memref<1x100xi32, #tpu.memory_space<vmem>>
      %dma_start3A_82 = tpu.memref_squeeze %dma_start3A_81 : memref<1x100xi32, #tpu.memory_space<vmem>> -> memref<100xi32, #tpu.memory_space<vmem>>
      %dma_start3A_83 = arith.constant 0 : i32
      %dma_start3A_84 = arith.constant 0 : i32
      %dma_start3A_85 = tpu.memref_slice %arg2[%dma_start3A_83, %dma_start3A_84] : memref<10000x16xf32, #tpu.memory_space<hbm>> -> memref<10000x16xf32, #tpu.memory_space<hbm>>
      tpu.enqueue_indirect_dma source(%dma_start3A_85 : memref<10000x16xf32, #tpu.memory_space<hbm>>) target(%dma_start3A_79 : memref<100x16xf32, #tpu.memory_space<vmem>>) offsets(%dma_start3A_82 : memref<100xi32, #tpu.memory_space<vmem>>) semaphore(%arg11 : memref<!tpu.dma_semaphore, #tpu.memory_space<semaphore_mem>>)
      %add3A_86 = arith.constant 5 : i32
      %add3A_87 = arith.addi %mul3A_16, %add3A_86 : i32
      %add3A_88 = arith.constant 5 : i32
      %add3A_89 = arith.addi %mul3A_16, %add3A_88 : i32
      %mul3A_90 = arith.constant 100 : i32
      %mul3A_91 = arith.muli %add3A_89, %mul3A_90 : i32
      %dma_start3A_92 = arith.constant 0 : i32
      %dma_start3A_93 = tpu.memref_slice %arg8[%mul3A_91, %dma_start3A_92] : memref<5000x16xf32, #tpu.memory_space<vmem>> -> memref<100x16xf32, #tpu.memory_space<vmem>>
      %dma_start3A_94 = arith.constant 0 : i32
      %dma_start3A_95 = tpu.memref_slice %arg7[%add3A_87, %dma_start3A_94] : memref<50x100xi32, #tpu.memory_space<vmem>> -> memref<1x100xi32, #tpu.memory_space<vmem>>
      %dma_start3A_96 = tpu.memref_squeeze %dma_start3A_95 : memref<1x100xi32, #tpu.memory_space<vmem>> -> memref<100xi32, #tpu.memory_space<vmem>>
      %dma_start3A_97 = arith.constant 0 : i32
      %dma_start3A_98 = arith.constant 0 : i32
      %dma_start3A_99 = tpu.memref_slice %arg2[%dma_start3A_97, %dma_start3A_98] : memref<10000x16xf32, #tpu.memory_space<hbm>> -> memref<10000x16xf32, #tpu.memory_space<hbm>>
      tpu.enqueue_indirect_dma source(%dma_start3A_99 : memref<10000x16xf32, #tpu.memory_space<hbm>>) target(%dma_start3A_93 : memref<100x16xf32, #tpu.memory_space<vmem>>) offsets(%dma_start3A_96 : memref<100xi32, #tpu.memory_space<vmem>>) semaphore(%arg11 : memref<!tpu.dma_semaphore, #tpu.memory_space<semaphore_mem>>)
      %add3A_100 = arith.constant 6 : i32
      %add3A_101 = arith.addi %mul3A_16, %add3A_100 : i32
      %add3A_102 = arith.constant 6 : i32
      %add3A_103 = arith.addi %mul3A_16, %add3A_102 : i32
      %mul3A_104 = arith.constant 100 : i32
      %mul3A_105 = arith.muli %add3A_103, %mul3A_104 : i32
      %dma_start3A_106 = arith.constant 0 : i32
      %dma_start3A_107 = tpu.memref_slice %arg8[%mul3A_105, %dma_start3A_106] : memref<5000x16xf32, #tpu.memory_space<vmem>> -> memref<100x16xf32, #tpu.memory_space<vmem>>
      %dma_start3A_108 = arith.constant 0 : i32
      %dma_start3A_109 = tpu.memref_slice %arg7[%add3A_101, %dma_start3A_108] : memref<50x100xi32, #tpu.memory_space<vmem>> -> memref<1x100xi32, #tpu.memory_space<vmem>>
      %dma_start3A_110 = tpu.memref_squeeze %dma_start3A_109 : memref<1x100xi32, #tpu.memory_space<vmem>> -> memref<100xi32, #tpu.memory_space<vmem>>
      %dma_start3A_111 = arith.constant 0 : i32
      %dma_start3A_112 = arith.constant 0 : i32
      %dma_start3A_113 = tpu.memref_slice %arg2[%dma_start3A_111, %dma_start3A_112] : memref<10000x16xf32, #tpu.memory_space<hbm>> -> memref<10000x16xf32, #tpu.memory_space<hbm>>
      tpu.enqueue_indirect_dma source(%dma_start3A_113 : memref<10000x16xf32, #tpu.memory_space<hbm>>) target(%dma_start3A_107 : memref<100x16xf32, #tpu.memory_space<vmem>>) offsets(%dma_start3A_110 : memref<100xi32, #tpu.memory_space<vmem>>) semaphore(%arg11 : memref<!tpu.dma_semaphore, #tpu.memory_space<semaphore_mem>>)
      %add3A_114 = arith.constant 7 : i32
      %add3A_115 = arith.addi %mul3A_16, %add3A_114 : i32
      %add3A_116 = arith.constant 7 : i32
      %add3A_117 = arith.addi %mul3A_16, %add3A_116 : i32
      %mul3A_118 = arith.constant 100 : i32
      %mul3A_119 = arith.muli %add3A_117, %mul3A_118 : i32
      %dma_start3A_120 = arith.constant 0 : i32
      %dma_start3A_121 = tpu.memref_slice %arg8[%mul3A_119, %dma_start3A_120] : memref<5000x16xf32, #tpu.memory_space<vmem>> -> memref<100x16xf32, #tpu.memory_space<vmem>>
      %dma_start3A_122 = arith.constant 0 : i32
      %dma_start3A_123 = tpu.memref_slice %arg7[%add3A_115, %dma_start3A_122] : memref<50x100xi32, #tpu.memory_space<vmem>> -> memref<1x100xi32, #tpu.memory_space<vmem>>
      %dma_start3A_124 = tpu.memref_squeeze %dma_start3A_123 : memref<1x100xi32, #tpu.memory_space<vmem>> -> memref<100xi32, #tpu.memory_space<vmem>>
      %dma_start3A_125 = arith.constant 0 : i32
      %dma_start3A_126 = arith.constant 0 : i32
      %dma_start3A_127 = tpu.memref_slice %arg2[%dma_start3A_125, %dma_start3A_126] : memref<10000x16xf32, #tpu.memory_space<hbm>> -> memref<10000x16xf32, #tpu.memory_space<hbm>>
      tpu.enqueue_indirect_dma source(%dma_start3A_127 : memref<10000x16xf32, #tpu.memory_space<hbm>>) target(%dma_start3A_121 : memref<100x16xf32, #tpu.memory_space<vmem>>) offsets(%dma_start3A_124 : memref<100xi32, #tpu.memory_space<vmem>>) semaphore(%arg11 : memref<!tpu.dma_semaphore, #tpu.memory_space<semaphore_mem>>)
      %add3A_128 = arith.constant 8 : i32
      %add3A_129 = arith.addi %mul3A_16, %add3A_128 : i32
      %add3A_130 = arith.constant 8 : i32
      %add3A_131 = arith.addi %mul3A_16, %add3A_130 : i32
      %mul3A_132 = arith.constant 100 : i32
      %mul3A_133 = arith.muli %add3A_131, %mul3A_132 : i32
      %dma_start3A_134 = arith.constant 0 : i32
      %dma_start3A_135 = tpu.memref_slice %arg8[%mul3A_133, %dma_start3A_134] : memref<5000x16xf32, #tpu.memory_space<vmem>> -> memref<100x16xf32, #tpu.memory_space<vmem>>
      %dma_start3A_136 = arith.constant 0 : i32
      %dma_start3A_137 = tpu.memref_slice %arg7[%add3A_129, %dma_start3A_136] : memref<50x100xi32, #tpu.memory_space<vmem>> -> memref<1x100xi32, #tpu.memory_space<vmem>>
      %dma_start3A_138 = tpu.memref_squeeze %dma_start3A_137 : memref<1x100xi32, #tpu.memory_space<vmem>> -> memref<100xi32, #tpu.memory_space<vmem>>
      %dma_start3A_139 = arith.constant 0 : i32
      %dma_start3A_140 = arith.constant 0 : i32
      %dma_start3A_141 = tpu.memref_slice %arg2[%dma_start3A_139, %dma_start3A_140] : memref<10000x16xf32, #tpu.memory_space<hbm>> -> memref<10000x16xf32, #tpu.memory_space<hbm>>
      tpu.enqueue_indirect_dma source(%dma_start3A_141 : memref<10000x16xf32, #tpu.memory_space<hbm>>) target(%dma_start3A_135 : memref<100x16xf32, #tpu.memory_space<vmem>>) offsets(%dma_start3A_138 : memref<100xi32, #tpu.memory_space<vmem>>) semaphore(%arg11 : memref<!tpu.dma_semaphore, #tpu.memory_space<semaphore_mem>>)
      %add3A_142 = arith.constant 9 : i32
      %add3A_143 = arith.addi %mul3A_16, %add3A_142 : i32
      %add3A_144 = arith.constant 9 : i32
      %add3A_145 = arith.addi %mul3A_16, %add3A_144 : i32
      %mul3A_146 = arith.constant 100 : i32
      %mul3A_147 = arith.muli %add3A_145, %mul3A_146 : i32
      %dma_start3A_148 = arith.constant 0 : i32
      %dma_start3A_149 = tpu.memref_slice %arg8[%mul3A_147, %dma_start3A_148] : memref<5000x16xf32, #tpu.memory_space<vmem>> -> memref<100x16xf32, #tpu.memory_space<vmem>>
      %dma_start3A_150 = arith.constant 0 : i32
      %dma_start3A_151 = tpu.memref_slice %arg7[%add3A_143, %dma_start3A_150] : memref<50x100xi32, #tpu.memory_space<vmem>> -> memref<1x100xi32, #tpu.memory_space<vmem>>
      %dma_start3A_152 = tpu.memref_squeeze %dma_start3A_151 : memref<1x100xi32, #tpu.memory_space<vmem>> -> memref<100xi32, #tpu.memory_space<vmem>>
      %dma_start3A_153 = arith.constant 0 : i32
      %dma_start3A_154 = arith.constant 0 : i32
      %dma_start3A_155 = tpu.memref_slice %arg2[%dma_start3A_153, %dma_start3A_154] : memref<10000x16xf32, #tpu.memory_space<hbm>> -> memref<10000x16xf32, #tpu.memory_space<hbm>>
      tpu.enqueue_indirect_dma source(%dma_start3A_155 : memref<10000x16xf32, #tpu.memory_space<hbm>>) target(%dma_start3A_149 : memref<100x16xf32, #tpu.memory_space<vmem>>) offsets(%dma_start3A_152 : memref<100xi32, #tpu.memory_space<vmem>>) semaphore(%arg11 : memref<!tpu.dma_semaphore, #tpu.memory_space<semaphore_mem>>)
      %dma_wait3A = arith.constant 0 : i32
      %dma_wait3A_156 = tpu.memref_slice %arg8[%mul3A_22, %dma_wait3A] : memref<5000x16xf32, #tpu.memory_space<vmem>> -> memref<100x16xf32, #tpu.memory_space<vmem>>
      %dma_wait3A_157 = arith.constant 0 : i32
      %dma_wait3A_158 = tpu.memref_slice %arg7[%add3A_18, %dma_wait3A_157] : memref<50x100xi32, #tpu.memory_space<vmem>> -> memref<1x100xi32, #tpu.memory_space<vmem>>
      %dma_wait3A_159 = tpu.memref_squeeze %dma_wait3A_158 : memref<1x100xi32, #tpu.memory_space<vmem>> -> memref<100xi32, #tpu.memory_space<vmem>>
      %dma_wait3A_160 = arith.constant 0 : i32
      %dma_wait3A_161 = arith.constant 0 : i32
      %dma_wait3A_162 = tpu.memref_slice %arg2[%dma_wait3A_160, %dma_wait3A_161] : memref<10000x16xf32, #tpu.memory_space<hbm>> -> memref<10000x16xf32, #tpu.memory_space<hbm>>
      tpu.wait_indirect_dma semaphore(%arg11 : memref<!tpu.dma_semaphore, #tpu.memory_space<semaphore_mem>>) src(%dma_wait3A_162 : memref<10000x16xf32, #tpu.memory_space<hbm>>) dst(%dma_wait3A_156 : memref<100x16xf32, #tpu.memory_space<vmem>>)
      %dma_wait3A_163 = arith.constant 0 : i32
      %dma_wait3A_164 = tpu.memref_slice %arg8[%mul3A_35, %dma_wait3A_163] : memref<5000x16xf32, #tpu.memory_space<vmem>> -> memref<100x16xf32, #tpu.memory_space<vmem>>
      %dma_wait3A_165 = arith.constant 0 : i32
      %dma_wait3A_166 = tpu.memref_slice %arg7[%add3A_31, %dma_wait3A_165] : memref<50x100xi32, #tpu.memory_space<vmem>> -> memref<1x100xi32, #tpu.memory_space<vmem>>
      %dma_wait3A_167 = tpu.memref_squeeze %dma_wait3A_166 : memref<1x100xi32, #tpu.memory_space<vmem>> -> memref<100xi32, #tpu.memory_space<vmem>>
      %dma_wait3A_168 = arith.constant 0 : i32
      %dma_wait3A_169 = arith.constant 0 : i32
      %dma_wait3A_170 = tpu.memref_slice %arg2[%dma_wait3A_168, %dma_wait3A_169] : memref<10000x16xf32, #tpu.memory_space<hbm>> -> memref<10000x16xf32, #tpu.memory_space<hbm>>
      tpu.wait_indirect_dma semaphore(%arg11 : memref<!tpu.dma_semaphore, #tpu.memory_space<semaphore_mem>>) src(%dma_wait3A_170 : memref<10000x16xf32, #tpu.memory_space<hbm>>) dst(%dma_wait3A_164 : memref<100x16xf32, #tpu.memory_space<vmem>>)
      %dma_wait3A_171 = arith.constant 0 : i32
      %dma_wait3A_172 = tpu.memref_slice %arg8[%mul3A_49, %dma_wait3A_171] : memref<5000x16xf32, #tpu.memory_space<vmem>> -> memref<100x16xf32, #tpu.memory_space<vmem>>
      %dma_wait3A_173 = arith.constant 0 : i32
      %dma_wait3A_174 = tpu.memref_slice %arg7[%add3A_45, %dma_wait3A_173] : memref<50x100xi32, #tpu.memory_space<vmem>> -> memref<1x100xi32, #tpu.memory_space<vmem>>
      %dma_wait3A_175 = tpu.memref_squeeze %dma_wait3A_174 : memref<1x100xi32, #tpu.memory_space<vmem>> -> memref<100xi32, #tpu.memory_space<vmem>>
      %dma_wait3A_176 = arith.constant 0 : i32
      %dma_wait3A_177 = arith.constant 0 : i32
      %dma_wait3A_178 = tpu.memref_slice %arg2[%dma_wait3A_176, %dma_wait3A_177] : memref<10000x16xf32, #tpu.memory_space<hbm>> -> memref<10000x16xf32, #tpu.memory_space<hbm>>
      tpu.wait_indirect_dma semaphore(%arg11 : memref<!tpu.dma_semaphore, #tpu.memory_space<semaphore_mem>>) src(%dma_wait3A_178 : memref<10000x16xf32, #tpu.memory_space<hbm>>) dst(%dma_wait3A_172 : memref<100x16xf32, #tpu.memory_space<vmem>>)
      %dma_wait3A_179 = arith.constant 0 : i32
      %dma_wait3A_180 = tpu.memref_slice %arg8[%mul3A_63, %dma_wait3A_179] : memref<5000x16xf32, #tpu.memory_space<vmem>> -> memref<100x16xf32, #tpu.memory_space<vmem>>
      %dma_wait3A_181 = arith.constant 0 : i32
      %dma_wait3A_182 = tpu.memref_slice %arg7[%add3A_59, %dma_wait3A_181] : memref<50x100xi32, #tpu.memory_space<vmem>> -> memref<1x100xi32, #tpu.memory_space<vmem>>
      %dma_wait3A_183 = tpu.memref_squeeze %dma_wait3A_182 : memref<1x100xi32, #tpu.memory_space<vmem>> -> memref<100xi32, #tpu.memory_space<vmem>>
      %dma_wait3A_184 = arith.constant 0 : i32
      %dma_wait3A_185 = arith.constant 0 : i32
      %dma_wait3A_186 = tpu.memref_slice %arg2[%dma_wait3A_184, %dma_wait3A_185] : memref<10000x16xf32, #tpu.memory_space<hbm>> -> memref<10000x16xf32, #tpu.memory_space<hbm>>
      tpu.wait_indirect_dma semaphore(%arg11 : memref<!tpu.dma_semaphore, #tpu.memory_space<semaphore_mem>>) src(%dma_wait3A_186 : memref<10000x16xf32, #tpu.memory_space<hbm>>) dst(%dma_wait3A_180 : memref<100x16xf32, #tpu.memory_space<vmem>>)
      %dma_wait3A_187 = arith.constant 0 : i32
      %dma_wait3A_188 = tpu.memref_slice %arg8[%mul3A_77, %dma_wait3A_187] : memref<5000x16xf32, #tpu.memory_space<vmem>> -> memref<100x16xf32, #tpu.memory_space<vmem>>
      %dma_wait3A_189 = arith.constant 0 : i32
      %dma_wait3A_190 = tpu.memref_slice %arg7[%add3A_73, %dma_wait3A_189] : memref<50x100xi32, #tpu.memory_space<vmem>> -> memref<1x100xi32, #tpu.memory_space<vmem>>
      %dma_wait3A_191 = tpu.memref_squeeze %dma_wait3A_190 : memref<1x100xi32, #tpu.memory_space<vmem>> -> memref<100xi32, #tpu.memory_space<vmem>>
      %dma_wait3A_192 = arith.constant 0 : i32
      %dma_wait3A_193 = arith.constant 0 : i32
      %dma_wait3A_194 = tpu.memref_slice %arg2[%dma_wait3A_192, %dma_wait3A_193] : memref<10000x16xf32, #tpu.memory_space<hbm>> -> memref<10000x16xf32, #tpu.memory_space<hbm>>
      tpu.wait_indirect_dma semaphore(%arg11 : memref<!tpu.dma_semaphore, #tpu.memory_space<semaphore_mem>>) src(%dma_wait3A_194 : memref<10000x16xf32, #tpu.memory_space<hbm>>) dst(%dma_wait3A_188 : memref<100x16xf32, #tpu.memory_space<vmem>>)
      %dma_wait3A_195 = arith.constant 0 : i32
      %dma_wait3A_196 = tpu.memref_slice %arg8[%mul3A_91, %dma_wait3A_195] : memref<5000x16xf32, #tpu.memory_space<vmem>> -> memref<100x16xf32, #tpu.memory_space<vmem>>
      %dma_wait3A_197 = arith.constant 0 : i32
      %dma_wait3A_198 = tpu.memref_slice %arg7[%add3A_87, %dma_wait3A_197] : memref<50x100xi32, #tpu.memory_space<vmem>> -> memref<1x100xi32, #tpu.memory_space<vmem>>
      %dma_wait3A_199 = tpu.memref_squeeze %dma_wait3A_198 : memref<1x100xi32, #tpu.memory_space<vmem>> -> memref<100xi32, #tpu.memory_space<vmem>>
      %dma_wait3A_200 = arith.constant 0 : i32
      %dma_wait3A_201 = arith.constant 0 : i32
      %dma_wait3A_202 = tpu.memref_slice %arg2[%dma_wait3A_200, %dma_wait3A_201] : memref<10000x16xf32, #tpu.memory_space<hbm>> -> memref<10000x16xf32, #tpu.memory_space<hbm>>
      tpu.wait_indirect_dma semaphore(%arg11 : memref<!tpu.dma_semaphore, #tpu.memory_space<semaphore_mem>>) src(%dma_wait3A_202 : memref<10000x16xf32, #tpu.memory_space<hbm>>) dst(%dma_wait3A_196 : memref<100x16xf32, #tpu.memory_space<vmem>>)
      %dma_wait3A_203 = arith.constant 0 : i32
      %dma_wait3A_204 = tpu.memref_slice %arg8[%mul3A_105, %dma_wait3A_203] : memref<5000x16xf32, #tpu.memory_space<vmem>> -> memref<100x16xf32, #tpu.memory_space<vmem>>
      %dma_wait3A_205 = arith.constant 0 : i32
      %dma_wait3A_206 = tpu.memref_slice %arg7[%add3A_101, %dma_wait3A_205] : memref<50x100xi32, #tpu.memory_space<vmem>> -> memref<1x100xi32, #tpu.memory_space<vmem>>
      %dma_wait3A_207 = tpu.memref_squeeze %dma_wait3A_206 : memref<1x100xi32, #tpu.memory_space<vmem>> -> memref<100xi32, #tpu.memory_space<vmem>>
      %dma_wait3A_208 = arith.constant 0 : i32
      %dma_wait3A_209 = arith.constant 0 : i32
      %dma_wait3A_210 = tpu.memref_slice %arg2[%dma_wait3A_208, %dma_wait3A_209] : memref<10000x16xf32, #tpu.memory_space<hbm>> -> memref<10000x16xf32, #tpu.memory_space<hbm>>
      tpu.wait_indirect_dma semaphore(%arg11 : memref<!tpu.dma_semaphore, #tpu.memory_space<semaphore_mem>>) src(%dma_wait3A_210 : memref<10000x16xf32, #tpu.memory_space<hbm>>) dst(%dma_wait3A_204 : memref<100x16xf32, #tpu.memory_space<vmem>>)
      %dma_wait3A_211 = arith.constant 0 : i32
      %dma_wait3A_212 = tpu.memref_slice %arg8[%mul3A_119, %dma_wait3A_211] : memref<5000x16xf32, #tpu.memory_space<vmem>> -> memref<100x16xf32, #tpu.memory_space<vmem>>
      %dma_wait3A_213 = arith.constant 0 : i32
      %dma_wait3A_214 = tpu.memref_slice %arg7[%add3A_115, %dma_wait3A_213] : memref<50x100xi32, #tpu.memory_space<vmem>> -> memref<1x100xi32, #tpu.memory_space<vmem>>
      %dma_wait3A_215 = tpu.memref_squeeze %dma_wait3A_214 : memref<1x100xi32, #tpu.memory_space<vmem>> -> memref<100xi32, #tpu.memory_space<vmem>>
      %dma_wait3A_216 = arith.constant 0 : i32
      %dma_wait3A_217 = arith.constant 0 : i32
      %dma_wait3A_218 = tpu.memref_slice %arg2[%dma_wait3A_216, %dma_wait3A_217] : memref<10000x16xf32, #tpu.memory_space<hbm>> -> memref<10000x16xf32, #tpu.memory_space<hbm>>
      tpu.wait_indirect_dma semaphore(%arg11 : memref<!tpu.dma_semaphore, #tpu.memory_space<semaphore_mem>>) src(%dma_wait3A_218 : memref<10000x16xf32, #tpu.memory_space<hbm>>) dst(%dma_wait3A_212 : memref<100x16xf32, #tpu.memory_space<vmem>>)
      %dma_wait3A_219 = arith.constant 0 : i32
      %dma_wait3A_220 = tpu.memref_slice %arg8[%mul3A_133, %dma_wait3A_219] : memref<5000x16xf32, #tpu.memory_space<vmem>> -> memref<100x16xf32, #tpu.memory_space<vmem>>
      %dma_wait3A_221 = arith.constant 0 : i32
      %dma_wait3A_222 = tpu.memref_slice %arg7[%add3A_129, %dma_wait3A_221] : memref<50x100xi32, #tpu.memory_space<vmem>> -> memref<1x100xi32, #tpu.memory_space<vmem>>
      %dma_wait3A_223 = tpu.memref_squeeze %dma_wait3A_222 : memref<1x100xi32, #tpu.memory_space<vmem>> -> memref<100xi32, #tpu.memory_space<vmem>>
      %dma_wait3A_224 = arith.constant 0 : i32
      %dma_wait3A_225 = arith.constant 0 : i32
      %dma_wait3A_226 = tpu.memref_slice %arg2[%dma_wait3A_224, %dma_wait3A_225] : memref<10000x16xf32, #tpu.memory_space<hbm>> -> memref<10000x16xf32, #tpu.memory_space<hbm>>
      tpu.wait_indirect_dma semaphore(%arg11 : memref<!tpu.dma_semaphore, #tpu.memory_space<semaphore_mem>>) src(%dma_wait3A_226 : memref<10000x16xf32, #tpu.memory_space<hbm>>) dst(%dma_wait3A_220 : memref<100x16xf32, #tpu.memory_space<vmem>>)
      %dma_wait3A_227 = arith.constant 0 : i32
      %dma_wait3A_228 = tpu.memref_slice %arg8[%mul3A_147, %dma_wait3A_227] : memref<5000x16xf32, #tpu.memory_space<vmem>> -> memref<100x16xf32, #tpu.memory_space<vmem>>
      %dma_wait3A_229 = arith.constant 0 : i32
      %dma_wait3A_230 = tpu.memref_slice %arg7[%add3A_143, %dma_wait3A_229] : memref<50x100xi32, #tpu.memory_space<vmem>> -> memref<1x100xi32, #tpu.memory_space<vmem>>
      %dma_wait3A_231 = tpu.memref_squeeze %dma_wait3A_230 : memref<1x100xi32, #tpu.memory_space<vmem>> -> memref<100xi32, #tpu.memory_space<vmem>>
      %dma_wait3A_232 = arith.constant 0 : i32
      %dma_wait3A_233 = arith.constant 0 : i32
      %dma_wait3A_234 = tpu.memref_slice %arg2[%dma_wait3A_232, %dma_wait3A_233] : memref<10000x16xf32, #tpu.memory_space<hbm>> -> memref<10000x16xf32, #tpu.memory_space<hbm>>
      tpu.wait_indirect_dma semaphore(%arg11 : memref<!tpu.dma_semaphore, #tpu.memory_space<semaphore_mem>>) src(%dma_wait3A_234 : memref<10000x16xf32, #tpu.memory_space<hbm>>) dst(%dma_wait3A_228 : memref<100x16xf32, #tpu.memory_space<vmem>>)
    }
    %scan3A_5 = arith.constant 5 : i32
    %mul3A_6 = arith.constant 5000 : i32
    %mul3A_7 = arith.muli %add3A, %mul3A_6 : i32
    "tpu.region"() ({
      %run_scoped3A = tpu.sem_alloc : memref<!tpu.dma_semaphore, #tpu.memory_space<semaphore_mem>>
      %dma_start3A = arith.constant 0 : i32
      %dma_start3A_14 = tpu.memref_slice %arg5[%mul3A_7, %dma_start3A] : memref<160000x16xf32, #tpu.memory_space<hbm>> -> memref<5000x16xf32, #tpu.memory_space<hbm>>
      %dma_start3A_15 = arith.constant 0 : i32
      %dma_start3A_16 = tpu.memref_slice %arg5[%mul3A_7, %dma_start3A_15] : memref<160000x16xf32, #tpu.memory_space<hbm>> -> memref<5000x16xf32, #tpu.memory_space<hbm>>
      tpu.enqueue_dma source(%arg8 : memref<5000x16xf32, #tpu.memory_space<vmem>>) target(%dma_start3A_16 : memref<5000x16xf32, #tpu.memory_space<hbm>>) target_semaphore(%run_scoped3A : memref<!tpu.dma_semaphore, #tpu.memory_space<semaphore_mem>>)
      %dma_wait3A = arith.constant 0 : i32
      %dma_wait3A_17 = tpu.memref_slice %arg5[%mul3A_7, %dma_wait3A] : memref<160000x16xf32, #tpu.memory_space<hbm>> -> memref<5000x16xf32, #tpu.memory_space<hbm>>
      %dma_wait3A_18 = arith.constant 0 : i32
      %dma_wait3A_19 = tpu.memref_slice %arg5[%mul3A_7, %dma_wait3A_18] : memref<160000x16xf32, #tpu.memory_space<hbm>> -> memref<5000x16xf32, #tpu.memory_space<hbm>>
      tpu.wait_dma2 semaphore(%run_scoped3A : memref<!tpu.dma_semaphore, #tpu.memory_space<semaphore_mem>>) src(%arg8 : memref<5000x16xf32, #tpu.memory_space<vmem>>) dst(%dma_wait3A_19 : memref<5000x16xf32, #tpu.memory_space<hbm>>)
      tpu.yield
    }) : () -> ()
    %iota3A = tpu.iota {dimensions = array<i32: 0>} : vector<16xi32>
    %scan3A_8 = arith.constant 0 : i32
    %scan3A_9 = arith.constant 0 : i32
    %scan3A_10 = arith.constant 5 : i32
    %scan3A_11 = arith.addi %scan3A_9, %scan3A_10 : i32
    %scan3A_12 = arith.constant 1 : i32
    scf.for %scan3A_14 = %scan3A_9 to %scan3A_11 step %scan3A_12  : i32 {
      %mul3A_15 = arith.constant 5000 : i32
      %mul3A_16 = arith.muli %add3A, %mul3A_15 : i32
      %mul3A_17 = arith.constant 1000 : i32
      %mul3A_18 = arith.muli %scan3A_14, %mul3A_17 : i32
      %add3A_19 = arith.addi %mul3A_16, %mul3A_18 : i32
      "tpu.region"() ({
        %run_scoped3A = tpu.sem_alloc : memref<!tpu.dma_semaphore, #tpu.memory_space<semaphore_mem>>
        %dma_start3A = arith.constant 0 : i32
        %dma_start3A_26 = tpu.memref_slice %arg4[%dma_start3A, %add3A_19] : memref<16x160000xf32, #tpu.memory_space<hbm>> -> memref<16x1000xf32, #tpu.memory_space<hbm>>
        %dma_start3A_27 = arith.constant 0 : i32
        %dma_start3A_28 = tpu.memref_slice %arg4[%dma_start3A_27, %add3A_19] : memref<16x160000xf32, #tpu.memory_space<hbm>> -> memref<16x1000xf32, #tpu.memory_space<hbm>>
        tpu.enqueue_dma source(%dma_start3A_28 : memref<16x1000xf32, #tpu.memory_space<hbm>>) target(%arg9 : memref<16x1000xf32, #tpu.memory_space<vmem>>) target_semaphore(%run_scoped3A : memref<!tpu.dma_semaphore, #tpu.memory_space<semaphore_mem>>)
        %dma_wait3A = arith.constant 0 : i32
        %dma_wait3A_29 = tpu.memref_slice %arg4[%dma_wait3A, %add3A_19] : memref<16x160000xf32, #tpu.memory_space<hbm>> -> memref<16x1000xf32, #tpu.memory_space<hbm>>
        %dma_wait3A_30 = arith.constant 0 : i32
        %dma_wait3A_31 = tpu.memref_slice %arg4[%dma_wait3A_30, %add3A_19] : memref<16x160000xf32, #tpu.memory_space<hbm>> -> memref<16x1000xf32, #tpu.memory_space<hbm>>
        tpu.wait_dma2 semaphore(%run_scoped3A : memref<!tpu.dma_semaphore, #tpu.memory_space<semaphore_mem>>) src(%dma_wait3A_31 : memref<16x1000xf32, #tpu.memory_space<hbm>>) dst(%arg9 : memref<16x1000xf32, #tpu.memory_space<vmem>>)
        tpu.yield
      }) : () -> ()
      %scan3A_20 = arith.constant 0 : i32
      %scan3A_21 = arith.constant 0 : i32
      %scan3A_22 = arith.constant 1000 : i32
      %scan3A_23 = arith.addi %scan3A_21, %scan3A_22 : i32
      %scan3A_24 = arith.constant 4 : i32
      scf.for %scan3A_26 = %scan3A_21 to %scan3A_23 step %scan3A_24  : i32 {
        %broadcast_in_dim3A = vector.broadcast %scan3A_26 : i32 to vector<16xi32>
        %gather3A = tpu.vector_load_idx %arg9[%iota3A, %broadcast_in_dim3A] : memref<16x1000xf32, #tpu.memory_space<vmem>>[vector<16xi32>, vector<16xi32>], vector<16xf32>,
        %swap3A = arith.index_cast %scan3A_26 : i32 to index
        %swap3A_27 = arith.constant 0 : index
        %swap3A_28 = tpu.vector_load %arg10[%swap3A, %swap3A_27] {strides = array<i32>} : memref<1000x16xf32, #tpu.memory_space<vmem>>, vector<16xf32>,
        tpu.vector_store %arg10[%swap3A, %swap3A_27], %gather3A {strides = array<i32>} : memref<1000x16xf32, #tpu.memory_space<vmem>>, vector<16xf32>,
        %scan3A_29 = arith.constant 1 : i32
        %scan3A_30 = arith.addi %scan3A_26, %scan3A_29 : i32
        %broadcast_in_dim3A_31 = vector.broadcast %scan3A_30 : i32 to vector<16xi32>
        %gather3A_32 = tpu.vector_load_idx %arg9[%iota3A, %broadcast_in_dim3A_31] : memref<16x1000xf32, #tpu.memory_space<vmem>>[vector<16xi32>, vector<16xi32>], vector<16xf32>,
        %swap3A_33 = arith.index_cast %scan3A_30 : i32 to index
        %swap3A_34 = arith.constant 0 : index
        %swap3A_35 = tpu.vector_load %arg10[%swap3A_33, %swap3A_34] {strides = array<i32>} : memref<1000x16xf32, #tpu.memory_space<vmem>>, vector<16xf32>,
        tpu.vector_store %arg10[%swap3A_33, %swap3A_34], %gather3A_32 {strides = array<i32>} : memref<1000x16xf32, #tpu.memory_space<vmem>>, vector<16xf32>,
        %scan3A_36 = arith.constant 2 : i32
        %scan3A_37 = arith.addi %scan3A_26, %scan3A_36 : i32
        %broadcast_in_dim3A_38 = vector.broadcast %scan3A_37 : i32 to vector<16xi32>
        %gather3A_39 = tpu.vector_load_idx %arg9[%iota3A, %broadcast_in_dim3A_38] : memref<16x1000xf32, #tpu.memory_space<vmem>>[vector<16xi32>, vector<16xi32>], vector<16xf32>,
        %swap3A_40 = arith.index_cast %scan3A_37 : i32 to index
        %swap3A_41 = arith.constant 0 : index
        %swap3A_42 = tpu.vector_load %arg10[%swap3A_40, %swap3A_41] {strides = array<i32>} : memref<1000x16xf32, #tpu.memory_space<vmem>>, vector<16xf32>,
        tpu.vector_store %arg10[%swap3A_40, %swap3A_41], %gather3A_39 {strides = array<i32>} : memref<1000x16xf32, #tpu.memory_space<vmem>>, vector<16xf32>,
        %scan3A_43 = arith.constant 3 : i32
        %scan3A_44 = arith.addi %scan3A_26, %scan3A_43 : i32
        %broadcast_in_dim3A_45 = vector.broadcast %scan3A_44 : i32 to vector<16xi32>
        %gather3A_46 = tpu.vector_load_idx %arg9[%iota3A, %broadcast_in_dim3A_45] : memref<16x1000xf32, #tpu.memory_space<vmem>>[vector<16xi32>, vector<16xi32>], vector<16xf32>,
        %swap3A_47 = arith.index_cast %scan3A_44 : i32 to index
        %swap3A_48 = arith.constant 0 : index
        %swap3A_49 = tpu.vector_load %arg10[%swap3A_47, %swap3A_48] {strides = array<i32>} : memref<1000x16xf32, #tpu.memory_space<vmem>>, vector<16xf32>,
        tpu.vector_store %arg10[%swap3A_47, %swap3A_48], %gather3A_46 {strides = array<i32>} : memref<1000x16xf32, #tpu.memory_space<vmem>>, vector<16xf32>,
      }
      %scan3A_25 = arith.constant 1000 : i32
      "tpu.region"() ({
        %run_scoped3A = tpu.sem_alloc : memref<!tpu.dma_semaphore, #tpu.memory_space<semaphore_mem>>
        %dma_start3A = arith.constant 0 : i32
        %dma_start3A_26 = tpu.memref_slice %arg6[%add3A_19, %dma_start3A] : memref<160000x16xf32, #tpu.memory_space<hbm>> -> memref<1000x16xf32, #tpu.memory_space<hbm>>
        %dma_start3A_27 = arith.constant 0 : i32
        %dma_start3A_28 = tpu.memref_slice %arg6[%add3A_19, %dma_start3A_27] : memref<160000x16xf32, #tpu.memory_space<hbm>> -> memref<1000x16xf32, #tpu.memory_space<hbm>>
        tpu.enqueue_dma source(%arg10 : memref<1000x16xf32, #tpu.memory_space<vmem>>) target(%dma_start3A_28 : memref<1000x16xf32, #tpu.memory_space<hbm>>) target_semaphore(%run_scoped3A : memref<!tpu.dma_semaphore, #tpu.memory_space<semaphore_mem>>)
        %dma_wait3A = arith.constant 0 : i32
        %dma_wait3A_29 = tpu.memref_slice %arg6[%add3A_19, %dma_wait3A] : memref<160000x16xf32, #tpu.memory_space<hbm>> -> memref<1000x16xf32, #tpu.memory_space<hbm>>
        %dma_wait3A_30 = arith.constant 0 : i32
        %dma_wait3A_31 = tpu.memref_slice %arg6[%add3A_19, %dma_wait3A_30] : memref<160000x16xf32, #tpu.memory_space<hbm>> -> memref<1000x16xf32, #tpu.memory_space<hbm>>
        tpu.wait_dma2 semaphore(%run_scoped3A : memref<!tpu.dma_semaphore, #tpu.memory_space<semaphore_mem>>) src(%arg10 : memref<1000x16xf32, #tpu.memory_space<vmem>>) dst(%dma_wait3A_31 : memref<1000x16xf32, #tpu.memory_space<hbm>>)
        tpu.yield
      }) : () -> ()
    }
    %scan3A_13 = arith.constant 5 : i32
    return
  }
}

#map = affine_map<(d0, d1) -> (0, 0)>
#map1 = affine_map<(d0, d1) -> (0, 0, 0)>
module attributes {stable_mosaic.version = 14 : i64} {
  func.func @_scatter_k(%arg0: i32, %arg1: i32, %arg2: memref<160000x16xf32, #tpu.memory_space<hbm>>, %arg3: memref<16x100x100xi32, #tpu.memory_space<hbm>>, %arg4: memref<10000x16xf32, #tpu.memory_space<hbm>>, %arg5: memref<10000x16xf32, #tpu.memory_space<hbm>>, %arg6: memref<50x100xi32, #tpu.memory_space<vmem>>, %arg7: memref<5000x16xf32, #tpu.memory_space<vmem>>, %arg8: memref<10000x16xf32, #tpu.memory_space<vmem_shared>>, %arg9: memref<!tpu.dma_semaphore, #tpu.memory_space<semaphore_mem>>) attributes {dimension_semantics = [#tpu.dimension_semantics<core_parallel>, #tpu.dimension_semantics<subcore_parallel>], iteration_bounds = array<i64: 2, 16>, scalar_prefetch = 0 : i64, scratch_operands = 4 : i64, tpu.core_type = #tpu.core_type<sc_vector_subcore>, window_params = [{transform_indices = #map}, {transform_indices = #map1}, {transform_indices = #map}, {transform_indices = #map}]} {
    %eq3A = arith.constant 0 : i32
    %eq3A_0 = arith.cmpi eq, %arg0, %eq3A : i32
    %convert_element_type3A = arith.extui %eq3A_0 : i1 to i32
    %cond3A = arith.constant 0 : i32
    %cond3A_1 = arith.cmpi ne, %convert_element_type3A, %cond3A : i32
    scf.if %cond3A_1 {
      %mul3A = arith.constant 640 : i32
      %mul3A_2 = arith.muli %arg1, %mul3A : i32
      %lt3A = arith.constant 15 : i32
      %lt3A_3 = arith.cmpi slt, %arg1, %lt3A : i32
      %convert_element_type3A_4 = arith.extui %lt3A_3 : i1 to i32
      %cond3A_5 = arith.constant 0 : i32
      %cond3A_6 = arith.cmpi ne, %convert_element_type3A_4, %cond3A_5 : i32
      scf.if %cond3A_6 {
        "tpu.region"() ({
          %run_scoped3A = tpu.sem_alloc : memref<!tpu.dma_semaphore, #tpu.memory_space<semaphore_mem>>
          %dma_start3A = arith.constant 0 : i32
          %dma_start3A_41 = tpu.memref_slice %arg8[%mul3A_2, %dma_start3A] : memref<10000x16xf32, #tpu.memory_space<vmem_shared>> -> memref<640x16xf32, #tpu.memory_space<vmem_shared>>
          %dma_start3A_42 = arith.constant 0 : i32
          %dma_start3A_43 = tpu.memref_slice %arg4[%mul3A_2, %dma_start3A_42] : memref<10000x16xf32, #tpu.memory_space<hbm>> -> memref<640x16xf32, #tpu.memory_space<hbm>>
          tpu.enqueue_dma source(%dma_start3A_43 : memref<640x16xf32, #tpu.memory_space<hbm>>) target(%dma_start3A_41 : memref<640x16xf32, #tpu.memory_space<vmem_shared>>) target_semaphore(%run_scoped3A : memref<!tpu.dma_semaphore, #tpu.memory_space<semaphore_mem>>)
          %dma_wait3A = arith.constant 0 : i32
          %dma_wait3A_44 = tpu.memref_slice %arg8[%mul3A_2, %dma_wait3A] : memref<10000x16xf32, #tpu.memory_space<vmem_shared>> -> memref<640x16xf32, #tpu.memory_space<vmem_shared>>
          %dma_wait3A_45 = arith.constant 0 : i32
          %dma_wait3A_46 = tpu.memref_slice %arg4[%mul3A_2, %dma_wait3A_45] : memref<10000x16xf32, #tpu.memory_space<hbm>> -> memref<640x16xf32, #tpu.memory_space<hbm>>
          tpu.wait_dma2 semaphore(%run_scoped3A : memref<!tpu.dma_semaphore, #tpu.memory_space<semaphore_mem>>) src(%dma_wait3A_46 : memref<640x16xf32, #tpu.memory_space<hbm>>) dst(%dma_wait3A_44 : memref<640x16xf32, #tpu.memory_space<vmem_shared>>)
          tpu.yield
        }) : () -> ()
      } else {
      }
      %eq3A_7 = arith.constant 15 : i32
      %eq3A_8 = arith.cmpi eq, %arg1, %eq3A_7 : i32
      %convert_element_type3A_9 = arith.extui %eq3A_8 : i1 to i32
      %cond3A_10 = arith.constant 0 : i32
      %cond3A_11 = arith.cmpi ne, %convert_element_type3A_9, %cond3A_10 : i32
      scf.if %cond3A_11 {
        "tpu.region"() ({
          %run_scoped3A = tpu.sem_alloc : memref<!tpu.dma_semaphore, #tpu.memory_space<semaphore_mem>>
          %dma_start3A = arith.constant 0 : i32
          %dma_start3A_41 = tpu.memref_slice %arg8[%mul3A_2, %dma_start3A] : memref<10000x16xf32, #tpu.memory_space<vmem_shared>> -> memref<400x16xf32, #tpu.memory_space<vmem_shared>>
          %dma_start3A_42 = arith.constant 0 : i32
          %dma_start3A_43 = tpu.memref_slice %arg4[%mul3A_2, %dma_start3A_42] : memref<10000x16xf32, #tpu.memory_space<hbm>> -> memref<400x16xf32, #tpu.memory_space<hbm>>
          tpu.enqueue_dma source(%dma_start3A_43 : memref<400x16xf32, #tpu.memory_space<hbm>>) target(%dma_start3A_41 : memref<400x16xf32, #tpu.memory_space<vmem_shared>>) target_semaphore(%run_scoped3A : memref<!tpu.dma_semaphore, #tpu.memory_space<semaphore_mem>>)
          %dma_wait3A = arith.constant 0 : i32
          %dma_wait3A_44 = tpu.memref_slice %arg8[%mul3A_2, %dma_wait3A] : memref<10000x16xf32, #tpu.memory_space<vmem_shared>> -> memref<400x16xf32, #tpu.memory_space<vmem_shared>>
          %dma_wait3A_45 = arith.constant 0 : i32
          %dma_wait3A_46 = tpu.memref_slice %arg4[%mul3A_2, %dma_wait3A_45] : memref<10000x16xf32, #tpu.memory_space<hbm>> -> memref<400x16xf32, #tpu.memory_space<hbm>>
          tpu.wait_dma2 semaphore(%run_scoped3A : memref<!tpu.dma_semaphore, #tpu.memory_space<semaphore_mem>>) src(%dma_wait3A_46 : memref<400x16xf32, #tpu.memory_space<hbm>>) dst(%dma_wait3A_44 : memref<400x16xf32, #tpu.memory_space<vmem_shared>>)
          tpu.yield
        }) : () -> ()
      } else {
      }
      %barrier3A = arith.constant 0 : index
      tpu.barrier barrier_id(%barrier3A)
      "tpu.region"() ({
        %run_scoped3A = tpu.sem_alloc : memref<!tpu.dma_semaphore, #tpu.memory_space<semaphore_mem>>
        %dma_start3A = arith.constant 0 : i32
        %dma_start3A_41 = arith.constant 0 : i32
        %dma_start3A_42 = tpu.memref_slice %arg3[%arg1, %dma_start3A, %dma_start3A_41] : memref<16x100x100xi32, #tpu.memory_space<hbm>> -> memref<1x50x100xi32, #tpu.memory_space<hbm>>
        %dma_start3A_43 = tpu.memref_squeeze %dma_start3A_42 : memref<1x50x100xi32, #tpu.memory_space<hbm>> -> memref<50x100xi32, #tpu.memory_space<hbm>>
        %dma_start3A_44 = arith.constant 0 : i32
        %dma_start3A_45 = arith.constant 0 : i32
        %dma_start3A_46 = tpu.memref_slice %arg3[%arg1, %dma_start3A_44, %dma_start3A_45] : memref<16x100x100xi32, #tpu.memory_space<hbm>> -> memref<1x50x100xi32, #tpu.memory_space<hbm>>
        %dma_start3A_47 = tpu.memref_squeeze %dma_start3A_46 : memref<1x50x100xi32, #tpu.memory_space<hbm>> -> memref<50x100xi32, #tpu.memory_space<hbm>>
        tpu.enqueue_dma source(%dma_start3A_47 : memref<50x100xi32, #tpu.memory_space<hbm>>) target(%arg6 : memref<50x100xi32, #tpu.memory_space<vmem>>) target_semaphore(%run_scoped3A : memref<!tpu.dma_semaphore, #tpu.memory_space<semaphore_mem>>)
        %dma_wait3A = arith.constant 0 : i32
        %dma_wait3A_48 = arith.constant 0 : i32
        %dma_wait3A_49 = tpu.memref_slice %arg3[%arg1, %dma_wait3A, %dma_wait3A_48] : memref<16x100x100xi32, #tpu.memory_space<hbm>> -> memref<1x50x100xi32, #tpu.memory_space<hbm>>
        %dma_wait3A_50 = tpu.memref_squeeze %dma_wait3A_49 : memref<1x50x100xi32, #tpu.memory_space<hbm>> -> memref<50x100xi32, #tpu.memory_space<hbm>>
        %dma_wait3A_51 = arith.constant 0 : i32
        %dma_wait3A_52 = arith.constant 0 : i32
        %dma_wait3A_53 = tpu.memref_slice %arg3[%arg1, %dma_wait3A_51, %dma_wait3A_52] : memref<16x100x100xi32, #tpu.memory_space<hbm>> -> memref<1x50x100xi32, #tpu.memory_space<hbm>>
        %dma_wait3A_54 = tpu.memref_squeeze %dma_wait3A_53 : memref<1x50x100xi32, #tpu.memory_space<hbm>> -> memref<50x100xi32, #tpu.memory_space<hbm>>
        tpu.wait_dma2 semaphore(%run_scoped3A : memref<!tpu.dma_semaphore, #tpu.memory_space<semaphore_mem>>) src(%dma_wait3A_54 : memref<50x100xi32, #tpu.memory_space<hbm>>) dst(%arg6 : memref<50x100xi32, #tpu.memory_space<vmem>>)
        tpu.yield
      }) : () -> ()
      %mul3A_12 = arith.constant 10000 : i32
      %mul3A_13 = arith.muli %arg1, %mul3A_12 : i32
      %add3A = arith.constant 0 : i32
      %add3A_14 = arith.addi %mul3A_13, %add3A : i32
      "tpu.region"() ({
        %run_scoped3A = tpu.sem_alloc : memref<!tpu.dma_semaphore, #tpu.memory_space<semaphore_mem>>
        %dma_start3A = arith.constant 0 : i32
        %dma_start3A_41 = tpu.memref_slice %arg2[%add3A_14, %dma_start3A] : memref<160000x16xf32, #tpu.memory_space<hbm>> -> memref<5000x16xf32, #tpu.memory_space<hbm>>
        %dma_start3A_42 = arith.constant 0 : i32
        %dma_start3A_43 = tpu.memref_slice %arg2[%add3A_14, %dma_start3A_42] : memref<160000x16xf32, #tpu.memory_space<hbm>> -> memref<5000x16xf32, #tpu.memory_space<hbm>>
        tpu.enqueue_dma source(%dma_start3A_43 : memref<5000x16xf32, #tpu.memory_space<hbm>>) target(%arg7 : memref<5000x16xf32, #tpu.memory_space<vmem>>) target_semaphore(%run_scoped3A : memref<!tpu.dma_semaphore, #tpu.memory_space<semaphore_mem>>)
        %dma_wait3A = arith.constant 0 : i32
        %dma_wait3A_44 = tpu.memref_slice %arg2[%add3A_14, %dma_wait3A] : memref<160000x16xf32, #tpu.memory_space<hbm>> -> memref<5000x16xf32, #tpu.memory_space<hbm>>
        %dma_wait3A_45 = arith.constant 0 : i32
        %dma_wait3A_46 = tpu.memref_slice %arg2[%add3A_14, %dma_wait3A_45] : memref<160000x16xf32, #tpu.memory_space<hbm>> -> memref<5000x16xf32, #tpu.memory_space<hbm>>
        tpu.wait_dma2 semaphore(%run_scoped3A : memref<!tpu.dma_semaphore, #tpu.memory_space<semaphore_mem>>) src(%dma_wait3A_46 : memref<5000x16xf32, #tpu.memory_space<hbm>>) dst(%arg7 : memref<5000x16xf32, #tpu.memory_space<vmem>>)
        tpu.yield
      }) : () -> ()
      %scan3A = arith.constant 0 : i32
      %scan3A_15 = arith.constant 0 : i32
      %scan3A_16 = arith.constant 5 : i32
      %scan3A_17 = arith.addi %scan3A_15, %scan3A_16 : i32
      %scan3A_18 = arith.constant 1 : i32
      scf.for %scan3A_41 = %scan3A_15 to %scan3A_17 step %scan3A_18  : i32 {
        %mul3A_42 = arith.constant 10 : i32
        %mul3A_43 = arith.muli %scan3A_41, %mul3A_42 : i32
        %add3A_44 = arith.constant 0 : i32
        %add3A_45 = arith.addi %mul3A_43, %add3A_44 : i32
        %mul3A_46 = arith.constant 100 : i32
        %mul3A_47 = arith.muli %add3A_45, %mul3A_46 : i32
        %add3A_48 = arith.constant 0 : i32
        %add3A_49 = arith.addi %mul3A_43, %add3A_48 : i32
        %dma_start3A = arith.constant 0 : i32
        %dma_start3A_50 = tpu.memref_slice %arg7[%mul3A_47, %dma_start3A] : memref<5000x16xf32, #tpu.memory_space<vmem>> -> memref<100x16xf32, #tpu.memory_space<vmem>>
        %dma_start3A_51 = arith.constant 0 : i32
        %dma_start3A_52 = tpu.memref_slice %arg6[%add3A_49, %dma_start3A_51] : memref<50x100xi32, #tpu.memory_space<vmem>> -> memref<1x100xi32, #tpu.memory_space<vmem>>
        %dma_start3A_53 = tpu.memref_squeeze %dma_start3A_52 : memref<1x100xi32, #tpu.memory_space<vmem>> -> memref<100xi32, #tpu.memory_space<vmem>>
        %dma_start3A_54 = arith.constant 0 : i32
        %dma_start3A_55 = arith.constant 0 : i32
        %dma_start3A_56 = tpu.memref_slice %arg8[%dma_start3A_54, %dma_start3A_55] : memref<10000x16xf32, #tpu.memory_space<vmem_shared>> -> memref<10000x16xf32, #tpu.memory_space<vmem_shared>>
        tpu.enqueue_indirect_dma source(%dma_start3A_50 : memref<100x16xf32, #tpu.memory_space<vmem>>) target(%dma_start3A_56 : memref<10000x16xf32, #tpu.memory_space<vmem_shared>>) offsets(%dma_start3A_53 : memref<100xi32, #tpu.memory_space<vmem>>) semaphore(%arg9 : memref<!tpu.dma_semaphore, #tpu.memory_space<semaphore_mem>>) {add = true}
        %add3A_57 = arith.constant 1 : i32
        %add3A_58 = arith.addi %mul3A_43, %add3A_57 : i32
        %mul3A_59 = arith.constant 100 : i32
        %mul3A_60 = arith.muli %add3A_58, %mul3A_59 : i32
        %add3A_61 = arith.constant 1 : i32
        %add3A_62 = arith.addi %mul3A_43, %add3A_61 : i32
        %dma_start3A_63 = arith.constant 0 : i32
        %dma_start3A_64 = tpu.memref_slice %arg7[%mul3A_60, %dma_start3A_63] : memref<5000x16xf32, #tpu.memory_space<vmem>> -> memref<100x16xf32, #tpu.memory_space<vmem>>
        %dma_start3A_65 = arith.constant 0 : i32
        %dma_start3A_66 = tpu.memref_slice %arg6[%add3A_62, %dma_start3A_65] : memref<50x100xi32, #tpu.memory_space<vmem>> -> memref<1x100xi32, #tpu.memory_space<vmem>>
        %dma_start3A_67 = tpu.memref_squeeze %dma_start3A_66 : memref<1x100xi32, #tpu.memory_space<vmem>> -> memref<100xi32, #tpu.memory_space<vmem>>
        %dma_start3A_68 = arith.constant 0 : i32
        %dma_start3A_69 = arith.constant 0 : i32
        %dma_start3A_70 = tpu.memref_slice %arg8[%dma_start3A_68, %dma_start3A_69] : memref<10000x16xf32, #tpu.memory_space<vmem_shared>> -> memref<10000x16xf32, #tpu.memory_space<vmem_shared>>
        tpu.enqueue_indirect_dma source(%dma_start3A_64 : memref<100x16xf32, #tpu.memory_space<vmem>>) target(%dma_start3A_70 : memref<10000x16xf32, #tpu.memory_space<vmem_shared>>) offsets(%dma_start3A_67 : memref<100xi32, #tpu.memory_space<vmem>>) semaphore(%arg9 : memref<!tpu.dma_semaphore, #tpu.memory_space<semaphore_mem>>) {add = true}
        %add3A_71 = arith.constant 2 : i32
        %add3A_72 = arith.addi %mul3A_43, %add3A_71 : i32
        %mul3A_73 = arith.constant 100 : i32
        %mul3A_74 = arith.muli %add3A_72, %mul3A_73 : i32
        %add3A_75 = arith.constant 2 : i32
        %add3A_76 = arith.addi %mul3A_43, %add3A_75 : i32
        %dma_start3A_77 = arith.constant 0 : i32
        %dma_start3A_78 = tpu.memref_slice %arg7[%mul3A_74, %dma_start3A_77] : memref<5000x16xf32, #tpu.memory_space<vmem>> -> memref<100x16xf32, #tpu.memory_space<vmem>>
        %dma_start3A_79 = arith.constant 0 : i32
        %dma_start3A_80 = tpu.memref_slice %arg6[%add3A_76, %dma_start3A_79] : memref<50x100xi32, #tpu.memory_space<vmem>> -> memref<1x100xi32, #tpu.memory_space<vmem>>
        %dma_start3A_81 = tpu.memref_squeeze %dma_start3A_80 : memref<1x100xi32, #tpu.memory_space<vmem>> -> memref<100xi32, #tpu.memory_space<vmem>>
        %dma_start3A_82 = arith.constant 0 : i32
        %dma_start3A_83 = arith.constant 0 : i32
        %dma_start3A_84 = tpu.memref_slice %arg8[%dma_start3A_82, %dma_start3A_83] : memref<10000x16xf32, #tpu.memory_space<vmem_shared>> -> memref<10000x16xf32, #tpu.memory_space<vmem_shared>>
        tpu.enqueue_indirect_dma source(%dma_start3A_78 : memref<100x16xf32, #tpu.memory_space<vmem>>) target(%dma_start3A_84 : memref<10000x16xf32, #tpu.memory_space<vmem_shared>>) offsets(%dma_start3A_81 : memref<100xi32, #tpu.memory_space<vmem>>) semaphore(%arg9 : memref<!tpu.dma_semaphore, #tpu.memory_space<semaphore_mem>>) {add = true}
        %add3A_85 = arith.constant 3 : i32
        %add3A_86 = arith.addi %mul3A_43, %add3A_85 : i32
        %mul3A_87 = arith.constant 100 : i32
        %mul3A_88 = arith.muli %add3A_86, %mul3A_87 : i32
        %add3A_89 = arith.constant 3 : i32
        %add3A_90 = arith.addi %mul3A_43, %add3A_89 : i32
        %dma_start3A_91 = arith.constant 0 : i32
        %dma_start3A_92 = tpu.memref_slice %arg7[%mul3A_88, %dma_start3A_91] : memref<5000x16xf32, #tpu.memory_space<vmem>> -> memref<100x16xf32, #tpu.memory_space<vmem>>
        %dma_start3A_93 = arith.constant 0 : i32
        %dma_start3A_94 = tpu.memref_slice %arg6[%add3A_90, %dma_start3A_93] : memref<50x100xi32, #tpu.memory_space<vmem>> -> memref<1x100xi32, #tpu.memory_space<vmem>>
        %dma_start3A_95 = tpu.memref_squeeze %dma_start3A_94 : memref<1x100xi32, #tpu.memory_space<vmem>> -> memref<100xi32, #tpu.memory_space<vmem>>
        %dma_start3A_96 = arith.constant 0 : i32
        %dma_start3A_97 = arith.constant 0 : i32
        %dma_start3A_98 = tpu.memref_slice %arg8[%dma_start3A_96, %dma_start3A_97] : memref<10000x16xf32, #tpu.memory_space<vmem_shared>> -> memref<10000x16xf32, #tpu.memory_space<vmem_shared>>
        tpu.enqueue_indirect_dma source(%dma_start3A_92 : memref<100x16xf32, #tpu.memory_space<vmem>>) target(%dma_start3A_98 : memref<10000x16xf32, #tpu.memory_space<vmem_shared>>) offsets(%dma_start3A_95 : memref<100xi32, #tpu.memory_space<vmem>>) semaphore(%arg9 : memref<!tpu.dma_semaphore, #tpu.memory_space<semaphore_mem>>) {add = true}
        %add3A_99 = arith.constant 4 : i32
        %add3A_100 = arith.addi %mul3A_43, %add3A_99 : i32
        %mul3A_101 = arith.constant 100 : i32
        %mul3A_102 = arith.muli %add3A_100, %mul3A_101 : i32
        %add3A_103 = arith.constant 4 : i32
        %add3A_104 = arith.addi %mul3A_43, %add3A_103 : i32
        %dma_start3A_105 = arith.constant 0 : i32
        %dma_start3A_106 = tpu.memref_slice %arg7[%mul3A_102, %dma_start3A_105] : memref<5000x16xf32, #tpu.memory_space<vmem>> -> memref<100x16xf32, #tpu.memory_space<vmem>>
        %dma_start3A_107 = arith.constant 0 : i32
        %dma_start3A_108 = tpu.memref_slice %arg6[%add3A_104, %dma_start3A_107] : memref<50x100xi32, #tpu.memory_space<vmem>> -> memref<1x100xi32, #tpu.memory_space<vmem>>
        %dma_start3A_109 = tpu.memref_squeeze %dma_start3A_108 : memref<1x100xi32, #tpu.memory_space<vmem>> -> memref<100xi32, #tpu.memory_space<vmem>>
        %dma_start3A_110 = arith.constant 0 : i32
        %dma_start3A_111 = arith.constant 0 : i32
        %dma_start3A_112 = tpu.memref_slice %arg8[%dma_start3A_110, %dma_start3A_111] : memref<10000x16xf32, #tpu.memory_space<vmem_shared>> -> memref<10000x16xf32, #tpu.memory_space<vmem_shared>>
        tpu.enqueue_indirect_dma source(%dma_start3A_106 : memref<100x16xf32, #tpu.memory_space<vmem>>) target(%dma_start3A_112 : memref<10000x16xf32, #tpu.memory_space<vmem_shared>>) offsets(%dma_start3A_109 : memref<100xi32, #tpu.memory_space<vmem>>) semaphore(%arg9 : memref<!tpu.dma_semaphore, #tpu.memory_space<semaphore_mem>>) {add = true}
        %add3A_113 = arith.constant 5 : i32
        %add3A_114 = arith.addi %mul3A_43, %add3A_113 : i32
        %mul3A_115 = arith.constant 100 : i32
        %mul3A_116 = arith.muli %add3A_114, %mul3A_115 : i32
        %add3A_117 = arith.constant 5 : i32
        %add3A_118 = arith.addi %mul3A_43, %add3A_117 : i32
        %dma_start3A_119 = arith.constant 0 : i32
        %dma_start3A_120 = tpu.memref_slice %arg7[%mul3A_116, %dma_start3A_119] : memref<5000x16xf32, #tpu.memory_space<vmem>> -> memref<100x16xf32, #tpu.memory_space<vmem>>
        %dma_start3A_121 = arith.constant 0 : i32
        %dma_start3A_122 = tpu.memref_slice %arg6[%add3A_118, %dma_start3A_121] : memref<50x100xi32, #tpu.memory_space<vmem>> -> memref<1x100xi32, #tpu.memory_space<vmem>>
        %dma_start3A_123 = tpu.memref_squeeze %dma_start3A_122 : memref<1x100xi32, #tpu.memory_space<vmem>> -> memref<100xi32, #tpu.memory_space<vmem>>
        %dma_start3A_124 = arith.constant 0 : i32
        %dma_start3A_125 = arith.constant 0 : i32
        %dma_start3A_126 = tpu.memref_slice %arg8[%dma_start3A_124, %dma_start3A_125] : memref<10000x16xf32, #tpu.memory_space<vmem_shared>> -> memref<10000x16xf32, #tpu.memory_space<vmem_shared>>
        tpu.enqueue_indirect_dma source(%dma_start3A_120 : memref<100x16xf32, #tpu.memory_space<vmem>>) target(%dma_start3A_126 : memref<10000x16xf32, #tpu.memory_space<vmem_shared>>) offsets(%dma_start3A_123 : memref<100xi32, #tpu.memory_space<vmem>>) semaphore(%arg9 : memref<!tpu.dma_semaphore, #tpu.memory_space<semaphore_mem>>) {add = true}
        %add3A_127 = arith.constant 6 : i32
        %add3A_128 = arith.addi %mul3A_43, %add3A_127 : i32
        %mul3A_129 = arith.constant 100 : i32
        %mul3A_130 = arith.muli %add3A_128, %mul3A_129 : i32
        %add3A_131 = arith.constant 6 : i32
        %add3A_132 = arith.addi %mul3A_43, %add3A_131 : i32
        %dma_start3A_133 = arith.constant 0 : i32
        %dma_start3A_134 = tpu.memref_slice %arg7[%mul3A_130, %dma_start3A_133] : memref<5000x16xf32, #tpu.memory_space<vmem>> -> memref<100x16xf32, #tpu.memory_space<vmem>>
        %dma_start3A_135 = arith.constant 0 : i32
        %dma_start3A_136 = tpu.memref_slice %arg6[%add3A_132, %dma_start3A_135] : memref<50x100xi32, #tpu.memory_space<vmem>> -> memref<1x100xi32, #tpu.memory_space<vmem>>
        %dma_start3A_137 = tpu.memref_squeeze %dma_start3A_136 : memref<1x100xi32, #tpu.memory_space<vmem>> -> memref<100xi32, #tpu.memory_space<vmem>>
        %dma_start3A_138 = arith.constant 0 : i32
        %dma_start3A_139 = arith.constant 0 : i32
        %dma_start3A_140 = tpu.memref_slice %arg8[%dma_start3A_138, %dma_start3A_139] : memref<10000x16xf32, #tpu.memory_space<vmem_shared>> -> memref<10000x16xf32, #tpu.memory_space<vmem_shared>>
        tpu.enqueue_indirect_dma source(%dma_start3A_134 : memref<100x16xf32, #tpu.memory_space<vmem>>) target(%dma_start3A_140 : memref<10000x16xf32, #tpu.memory_space<vmem_shared>>) offsets(%dma_start3A_137 : memref<100xi32, #tpu.memory_space<vmem>>) semaphore(%arg9 : memref<!tpu.dma_semaphore, #tpu.memory_space<semaphore_mem>>) {add = true}
        %add3A_141 = arith.constant 7 : i32
        %add3A_142 = arith.addi %mul3A_43, %add3A_141 : i32
        %mul3A_143 = arith.constant 100 : i32
        %mul3A_144 = arith.muli %add3A_142, %mul3A_143 : i32
        %add3A_145 = arith.constant 7 : i32
        %add3A_146 = arith.addi %mul3A_43, %add3A_145 : i32
        %dma_start3A_147 = arith.constant 0 : i32
        %dma_start3A_148 = tpu.memref_slice %arg7[%mul3A_144, %dma_start3A_147] : memref<5000x16xf32, #tpu.memory_space<vmem>> -> memref<100x16xf32, #tpu.memory_space<vmem>>
        %dma_start3A_149 = arith.constant 0 : i32
        %dma_start3A_150 = tpu.memref_slice %arg6[%add3A_146, %dma_start3A_149] : memref<50x100xi32, #tpu.memory_space<vmem>> -> memref<1x100xi32, #tpu.memory_space<vmem>>
        %dma_start3A_151 = tpu.memref_squeeze %dma_start3A_150 : memref<1x100xi32, #tpu.memory_space<vmem>> -> memref<100xi32, #tpu.memory_space<vmem>>
        %dma_start3A_152 = arith.constant 0 : i32
        %dma_start3A_153 = arith.constant 0 : i32
        %dma_start3A_154 = tpu.memref_slice %arg8[%dma_start3A_152, %dma_start3A_153] : memref<10000x16xf32, #tpu.memory_space<vmem_shared>> -> memref<10000x16xf32, #tpu.memory_space<vmem_shared>>
        tpu.enqueue_indirect_dma source(%dma_start3A_148 : memref<100x16xf32, #tpu.memory_space<vmem>>) target(%dma_start3A_154 : memref<10000x16xf32, #tpu.memory_space<vmem_shared>>) offsets(%dma_start3A_151 : memref<100xi32, #tpu.memory_space<vmem>>) semaphore(%arg9 : memref<!tpu.dma_semaphore, #tpu.memory_space<semaphore_mem>>) {add = true}
        %add3A_155 = arith.constant 8 : i32
        %add3A_156 = arith.addi %mul3A_43, %add3A_155 : i32
        %mul3A_157 = arith.constant 100 : i32
        %mul3A_158 = arith.muli %add3A_156, %mul3A_157 : i32
        %add3A_159 = arith.constant 8 : i32
        %add3A_160 = arith.addi %mul3A_43, %add3A_159 : i32
        %dma_start3A_161 = arith.constant 0 : i32
        %dma_start3A_162 = tpu.memref_slice %arg7[%mul3A_158, %dma_start3A_161] : memref<5000x16xf32, #tpu.memory_space<vmem>> -> memref<100x16xf32, #tpu.memory_space<vmem>>
        %dma_start3A_163 = arith.constant 0 : i32
        %dma_start3A_164 = tpu.memref_slice %arg6[%add3A_160, %dma_start3A_163] : memref<50x100xi32, #tpu.memory_space<vmem>> -> memref<1x100xi32, #tpu.memory_space<vmem>>
        %dma_start3A_165 = tpu.memref_squeeze %dma_start3A_164 : memref<1x100xi32, #tpu.memory_space<vmem>> -> memref<100xi32, #tpu.memory_space<vmem>>
        %dma_start3A_166 = arith.constant 0 : i32
        %dma_start3A_167 = arith.constant 0 : i32
        %dma_start3A_168 = tpu.memref_slice %arg8[%dma_start3A_166, %dma_start3A_167] : memref<10000x16xf32, #tpu.memory_space<vmem_shared>> -> memref<10000x16xf32, #tpu.memory_space<vmem_shared>>
        tpu.enqueue_indirect_dma source(%dma_start3A_162 : memref<100x16xf32, #tpu.memory_space<vmem>>) target(%dma_start3A_168 : memref<10000x16xf32, #tpu.memory_space<vmem_shared>>) offsets(%dma_start3A_165 : memref<100xi32, #tpu.memory_space<vmem>>) semaphore(%arg9 : memref<!tpu.dma_semaphore, #tpu.memory_space<semaphore_mem>>) {add = true}
        %add3A_169 = arith.constant 9 : i32
        %add3A_170 = arith.addi %mul3A_43, %add3A_169 : i32
        %mul3A_171 = arith.constant 100 : i32
        %mul3A_172 = arith.muli %add3A_170, %mul3A_171 : i32
        %add3A_173 = arith.constant 9 : i32
        %add3A_174 = arith.addi %mul3A_43, %add3A_173 : i32
        %dma_start3A_175 = arith.constant 0 : i32
        %dma_start3A_176 = tpu.memref_slice %arg7[%mul3A_172, %dma_start3A_175] : memref<5000x16xf32, #tpu.memory_space<vmem>> -> memref<100x16xf32, #tpu.memory_space<vmem>>
        %dma_start3A_177 = arith.constant 0 : i32
        %dma_start3A_178 = tpu.memref_slice %arg6[%add3A_174, %dma_start3A_177] : memref<50x100xi32, #tpu.memory_space<vmem>> -> memref<1x100xi32, #tpu.memory_space<vmem>>
        %dma_start3A_179 = tpu.memref_squeeze %dma_start3A_178 : memref<1x100xi32, #tpu.memory_space<vmem>> -> memref<100xi32, #tpu.memory_space<vmem>>
        %dma_start3A_180 = arith.constant 0 : i32
        %dma_start3A_181 = arith.constant 0 : i32
        %dma_start3A_182 = tpu.memref_slice %arg8[%dma_start3A_180, %dma_start3A_181] : memref<10000x16xf32, #tpu.memory_space<vmem_shared>> -> memref<10000x16xf32, #tpu.memory_space<vmem_shared>>
        tpu.enqueue_indirect_dma source(%dma_start3A_176 : memref<100x16xf32, #tpu.memory_space<vmem>>) target(%dma_start3A_182 : memref<10000x16xf32, #tpu.memory_space<vmem_shared>>) offsets(%dma_start3A_179 : memref<100xi32, #tpu.memory_space<vmem>>) semaphore(%arg9 : memref<!tpu.dma_semaphore, #tpu.memory_space<semaphore_mem>>) {add = true}
        %dma_wait3A = arith.constant 0 : i32
        %dma_wait3A_183 = tpu.memref_slice %arg7[%mul3A_47, %dma_wait3A] : memref<5000x16xf32, #tpu.memory_space<vmem>> -> memref<100x16xf32, #tpu.memory_space<vmem>>
        %dma_wait3A_184 = arith.constant 0 : i32
        %dma_wait3A_185 = tpu.memref_slice %arg6[%add3A_49, %dma_wait3A_184] : memref<50x100xi32, #tpu.memory_space<vmem>> -> memref<1x100xi32, #tpu.memory_space<vmem>>
        %dma_wait3A_186 = tpu.memref_squeeze %dma_wait3A_185 : memref<1x100xi32, #tpu.memory_space<vmem>> -> memref<100xi32, #tpu.memory_space<vmem>>
        %dma_wait3A_187 = arith.constant 0 : i32
        %dma_wait3A_188 = arith.constant 0 : i32
        %dma_wait3A_189 = tpu.memref_slice %arg8[%dma_wait3A_187, %dma_wait3A_188] : memref<10000x16xf32, #tpu.memory_space<vmem_shared>> -> memref<10000x16xf32, #tpu.memory_space<vmem_shared>>
        tpu.wait_indirect_dma semaphore(%arg9 : memref<!tpu.dma_semaphore, #tpu.memory_space<semaphore_mem>>) src(%dma_wait3A_183 : memref<100x16xf32, #tpu.memory_space<vmem>>) dst(%dma_wait3A_189 : memref<10000x16xf32, #tpu.memory_space<vmem_shared>>)
        %dma_wait3A_190 = arith.constant 0 : i32
        %dma_wait3A_191 = tpu.memref_slice %arg7[%mul3A_60, %dma_wait3A_190] : memref<5000x16xf32, #tpu.memory_space<vmem>> -> memref<100x16xf32, #tpu.memory_space<vmem>>
        %dma_wait3A_192 = arith.constant 0 : i32
        %dma_wait3A_193 = tpu.memref_slice %arg6[%add3A_62, %dma_wait3A_192] : memref<50x100xi32, #tpu.memory_space<vmem>> -> memref<1x100xi32, #tpu.memory_space<vmem>>
        %dma_wait3A_194 = tpu.memref_squeeze %dma_wait3A_193 : memref<1x100xi32, #tpu.memory_space<vmem>> -> memref<100xi32, #tpu.memory_space<vmem>>
        %dma_wait3A_195 = arith.constant 0 : i32
        %dma_wait3A_196 = arith.constant 0 : i32
        %dma_wait3A_197 = tpu.memref_slice %arg8[%dma_wait3A_195, %dma_wait3A_196] : memref<10000x16xf32, #tpu.memory_space<vmem_shared>> -> memref<10000x16xf32, #tpu.memory_space<vmem_shared>>
        tpu.wait_indirect_dma semaphore(%arg9 : memref<!tpu.dma_semaphore, #tpu.memory_space<semaphore_mem>>) src(%dma_wait3A_191 : memref<100x16xf32, #tpu.memory_space<vmem>>) dst(%dma_wait3A_197 : memref<10000x16xf32, #tpu.memory_space<vmem_shared>>)
        %dma_wait3A_198 = arith.constant 0 : i32
        %dma_wait3A_199 = tpu.memref_slice %arg7[%mul3A_74, %dma_wait3A_198] : memref<5000x16xf32, #tpu.memory_space<vmem>> -> memref<100x16xf32, #tpu.memory_space<vmem>>
        %dma_wait3A_200 = arith.constant 0 : i32
        %dma_wait3A_201 = tpu.memref_slice %arg6[%add3A_76, %dma_wait3A_200] : memref<50x100xi32, #tpu.memory_space<vmem>> -> memref<1x100xi32, #tpu.memory_space<vmem>>
        %dma_wait3A_202 = tpu.memref_squeeze %dma_wait3A_201 : memref<1x100xi32, #tpu.memory_space<vmem>> -> memref<100xi32, #tpu.memory_space<vmem>>
        %dma_wait3A_203 = arith.constant 0 : i32
        %dma_wait3A_204 = arith.constant 0 : i32
        %dma_wait3A_205 = tpu.memref_slice %arg8[%dma_wait3A_203, %dma_wait3A_204] : memref<10000x16xf32, #tpu.memory_space<vmem_shared>> -> memref<10000x16xf32, #tpu.memory_space<vmem_shared>>
        tpu.wait_indirect_dma semaphore(%arg9 : memref<!tpu.dma_semaphore, #tpu.memory_space<semaphore_mem>>) src(%dma_wait3A_199 : memref<100x16xf32, #tpu.memory_space<vmem>>) dst(%dma_wait3A_205 : memref<10000x16xf32, #tpu.memory_space<vmem_shared>>)
        %dma_wait3A_206 = arith.constant 0 : i32
        %dma_wait3A_207 = tpu.memref_slice %arg7[%mul3A_88, %dma_wait3A_206] : memref<5000x16xf32, #tpu.memory_space<vmem>> -> memref<100x16xf32, #tpu.memory_space<vmem>>
        %dma_wait3A_208 = arith.constant 0 : i32
        %dma_wait3A_209 = tpu.memref_slice %arg6[%add3A_90, %dma_wait3A_208] : memref<50x100xi32, #tpu.memory_space<vmem>> -> memref<1x100xi32, #tpu.memory_space<vmem>>
        %dma_wait3A_210 = tpu.memref_squeeze %dma_wait3A_209 : memref<1x100xi32, #tpu.memory_space<vmem>> -> memref<100xi32, #tpu.memory_space<vmem>>
        %dma_wait3A_211 = arith.constant 0 : i32
        %dma_wait3A_212 = arith.constant 0 : i32
        %dma_wait3A_213 = tpu.memref_slice %arg8[%dma_wait3A_211, %dma_wait3A_212] : memref<10000x16xf32, #tpu.memory_space<vmem_shared>> -> memref<10000x16xf32, #tpu.memory_space<vmem_shared>>
        tpu.wait_indirect_dma semaphore(%arg9 : memref<!tpu.dma_semaphore, #tpu.memory_space<semaphore_mem>>) src(%dma_wait3A_207 : memref<100x16xf32, #tpu.memory_space<vmem>>) dst(%dma_wait3A_213 : memref<10000x16xf32, #tpu.memory_space<vmem_shared>>)
        %dma_wait3A_214 = arith.constant 0 : i32
        %dma_wait3A_215 = tpu.memref_slice %arg7[%mul3A_102, %dma_wait3A_214] : memref<5000x16xf32, #tpu.memory_space<vmem>> -> memref<100x16xf32, #tpu.memory_space<vmem>>
        %dma_wait3A_216 = arith.constant 0 : i32
        %dma_wait3A_217 = tpu.memref_slice %arg6[%add3A_104, %dma_wait3A_216] : memref<50x100xi32, #tpu.memory_space<vmem>> -> memref<1x100xi32, #tpu.memory_space<vmem>>
        %dma_wait3A_218 = tpu.memref_squeeze %dma_wait3A_217 : memref<1x100xi32, #tpu.memory_space<vmem>> -> memref<100xi32, #tpu.memory_space<vmem>>
        %dma_wait3A_219 = arith.constant 0 : i32
        %dma_wait3A_220 = arith.constant 0 : i32
        %dma_wait3A_221 = tpu.memref_slice %arg8[%dma_wait3A_219, %dma_wait3A_220] : memref<10000x16xf32, #tpu.memory_space<vmem_shared>> -> memref<10000x16xf32, #tpu.memory_space<vmem_shared>>
        tpu.wait_indirect_dma semaphore(%arg9 : memref<!tpu.dma_semaphore, #tpu.memory_space<semaphore_mem>>) src(%dma_wait3A_215 : memref<100x16xf32, #tpu.memory_space<vmem>>) dst(%dma_wait3A_221 : memref<10000x16xf32, #tpu.memory_space<vmem_shared>>)
        %dma_wait3A_222 = arith.constant 0 : i32
        %dma_wait3A_223 = tpu.memref_slice %arg7[%mul3A_116, %dma_wait3A_222] : memref<5000x16xf32, #tpu.memory_space<vmem>> -> memref<100x16xf32, #tpu.memory_space<vmem>>
        %dma_wait3A_224 = arith.constant 0 : i32
        %dma_wait3A_225 = tpu.memref_slice %arg6[%add3A_118, %dma_wait3A_224] : memref<50x100xi32, #tpu.memory_space<vmem>> -> memref<1x100xi32, #tpu.memory_space<vmem>>
        %dma_wait3A_226 = tpu.memref_squeeze %dma_wait3A_225 : memref<1x100xi32, #tpu.memory_space<vmem>> -> memref<100xi32, #tpu.memory_space<vmem>>
        %dma_wait3A_227 = arith.constant 0 : i32
        %dma_wait3A_228 = arith.constant 0 : i32
        %dma_wait3A_229 = tpu.memref_slice %arg8[%dma_wait3A_227, %dma_wait3A_228] : memref<10000x16xf32, #tpu.memory_space<vmem_shared>> -> memref<10000x16xf32, #tpu.memory_space<vmem_shared>>
        tpu.wait_indirect_dma semaphore(%arg9 : memref<!tpu.dma_semaphore, #tpu.memory_space<semaphore_mem>>) src(%dma_wait3A_223 : memref<100x16xf32, #tpu.memory_space<vmem>>) dst(%dma_wait3A_229 : memref<10000x16xf32, #tpu.memory_space<vmem_shared>>)
        %dma_wait3A_230 = arith.constant 0 : i32
        %dma_wait3A_231 = tpu.memref_slice %arg7[%mul3A_130, %dma_wait3A_230] : memref<5000x16xf32, #tpu.memory_space<vmem>> -> memref<100x16xf32, #tpu.memory_space<vmem>>
        %dma_wait3A_232 = arith.constant 0 : i32
        %dma_wait3A_233 = tpu.memref_slice %arg6[%add3A_132, %dma_wait3A_232] : memref<50x100xi32, #tpu.memory_space<vmem>> -> memref<1x100xi32, #tpu.memory_space<vmem>>
        %dma_wait3A_234 = tpu.memref_squeeze %dma_wait3A_233 : memref<1x100xi32, #tpu.memory_space<vmem>> -> memref<100xi32, #tpu.memory_space<vmem>>
        %dma_wait3A_235 = arith.constant 0 : i32
        %dma_wait3A_236 = arith.constant 0 : i32
        %dma_wait3A_237 = tpu.memref_slice %arg8[%dma_wait3A_235, %dma_wait3A_236] : memref<10000x16xf32, #tpu.memory_space<vmem_shared>> -> memref<10000x16xf32, #tpu.memory_space<vmem_shared>>
        tpu.wait_indirect_dma semaphore(%arg9 : memref<!tpu.dma_semaphore, #tpu.memory_space<semaphore_mem>>) src(%dma_wait3A_231 : memref<100x16xf32, #tpu.memory_space<vmem>>) dst(%dma_wait3A_237 : memref<10000x16xf32, #tpu.memory_space<vmem_shared>>)
        %dma_wait3A_238 = arith.constant 0 : i32
        %dma_wait3A_239 = tpu.memref_slice %arg7[%mul3A_144, %dma_wait3A_238] : memref<5000x16xf32, #tpu.memory_space<vmem>> -> memref<100x16xf32, #tpu.memory_space<vmem>>
        %dma_wait3A_240 = arith.constant 0 : i32
        %dma_wait3A_241 = tpu.memref_slice %arg6[%add3A_146, %dma_wait3A_240] : memref<50x100xi32, #tpu.memory_space<vmem>> -> memref<1x100xi32, #tpu.memory_space<vmem>>
        %dma_wait3A_242 = tpu.memref_squeeze %dma_wait3A_241 : memref<1x100xi32, #tpu.memory_space<vmem>> -> memref<100xi32, #tpu.memory_space<vmem>>
        %dma_wait3A_243 = arith.constant 0 : i32
        %dma_wait3A_244 = arith.constant 0 : i32
        %dma_wait3A_245 = tpu.memref_slice %arg8[%dma_wait3A_243, %dma_wait3A_244] : memref<10000x16xf32, #tpu.memory_space<vmem_shared>> -> memref<10000x16xf32, #tpu.memory_space<vmem_shared>>
        tpu.wait_indirect_dma semaphore(%arg9 : memref<!tpu.dma_semaphore, #tpu.memory_space<semaphore_mem>>) src(%dma_wait3A_239 : memref<100x16xf32, #tpu.memory_space<vmem>>) dst(%dma_wait3A_245 : memref<10000x16xf32, #tpu.memory_space<vmem_shared>>)
        %dma_wait3A_246 = arith.constant 0 : i32
        %dma_wait3A_247 = tpu.memref_slice %arg7[%mul3A_158, %dma_wait3A_246] : memref<5000x16xf32, #tpu.memory_space<vmem>> -> memref<100x16xf32, #tpu.memory_space<vmem>>
        %dma_wait3A_248 = arith.constant 0 : i32
        %dma_wait3A_249 = tpu.memref_slice %arg6[%add3A_160, %dma_wait3A_248] : memref<50x100xi32, #tpu.memory_space<vmem>> -> memref<1x100xi32, #tpu.memory_space<vmem>>
        %dma_wait3A_250 = tpu.memref_squeeze %dma_wait3A_249 : memref<1x100xi32, #tpu.memory_space<vmem>> -> memref<100xi32, #tpu.memory_space<vmem>>
        %dma_wait3A_251 = arith.constant 0 : i32
        %dma_wait3A_252 = arith.constant 0 : i32
        %dma_wait3A_253 = tpu.memref_slice %arg8[%dma_wait3A_251, %dma_wait3A_252] : memref<10000x16xf32, #tpu.memory_space<vmem_shared>> -> memref<10000x16xf32, #tpu.memory_space<vmem_shared>>
        tpu.wait_indirect_dma semaphore(%arg9 : memref<!tpu.dma_semaphore, #tpu.memory_space<semaphore_mem>>) src(%dma_wait3A_247 : memref<100x16xf32, #tpu.memory_space<vmem>>) dst(%dma_wait3A_253 : memref<10000x16xf32, #tpu.memory_space<vmem_shared>>)
        %dma_wait3A_254 = arith.constant 0 : i32
        %dma_wait3A_255 = tpu.memref_slice %arg7[%mul3A_172, %dma_wait3A_254] : memref<5000x16xf32, #tpu.memory_space<vmem>> -> memref<100x16xf32, #tpu.memory_space<vmem>>
        %dma_wait3A_256 = arith.constant 0 : i32
        %dma_wait3A_257 = tpu.memref_slice %arg6[%add3A_174, %dma_wait3A_256] : memref<50x100xi32, #tpu.memory_space<vmem>> -> memref<1x100xi32, #tpu.memory_space<vmem>>
        %dma_wait3A_258 = tpu.memref_squeeze %dma_wait3A_257 : memref<1x100xi32, #tpu.memory_space<vmem>> -> memref<100xi32, #tpu.memory_space<vmem>>
        %dma_wait3A_259 = arith.constant 0 : i32
        %dma_wait3A_260 = arith.constant 0 : i32
        %dma_wait3A_261 = tpu.memref_slice %arg8[%dma_wait3A_259, %dma_wait3A_260] : memref<10000x16xf32, #tpu.memory_space<vmem_shared>> -> memref<10000x16xf32, #tpu.memory_space<vmem_shared>>
        tpu.wait_indirect_dma semaphore(%arg9 : memref<!tpu.dma_semaphore, #tpu.memory_space<semaphore_mem>>) src(%dma_wait3A_255 : memref<100x16xf32, #tpu.memory_space<vmem>>) dst(%dma_wait3A_261 : memref<10000x16xf32, #tpu.memory_space<vmem_shared>>)
      }
      %scan3A_19 = arith.constant 5 : i32
      "tpu.region"() ({
        %run_scoped3A = tpu.sem_alloc : memref<!tpu.dma_semaphore, #tpu.memory_space<semaphore_mem>>
        %dma_start3A = arith.constant 50 : i32
        %dma_start3A_41 = arith.constant 0 : i32
        %dma_start3A_42 = tpu.memref_slice %arg3[%arg1, %dma_start3A, %dma_start3A_41] : memref<16x100x100xi32, #tpu.memory_space<hbm>> -> memref<1x50x100xi32, #tpu.memory_space<hbm>>
        %dma_start3A_43 = tpu.memref_squeeze %dma_start3A_42 : memref<1x50x100xi32, #tpu.memory_space<hbm>> -> memref<50x100xi32, #tpu.memory_space<hbm>>
        %dma_start3A_44 = arith.constant 50 : i32
        %dma_start3A_45 = arith.constant 0 : i32
        %dma_start3A_46 = tpu.memref_slice %arg3[%arg1, %dma_start3A_44, %dma_start3A_45] : memref<16x100x100xi32, #tpu.memory_space<hbm>> -> memref<1x50x100xi32, #tpu.memory_space<hbm>>
        %dma_start3A_47 = tpu.memref_squeeze %dma_start3A_46 : memref<1x50x100xi32, #tpu.memory_space<hbm>> -> memref<50x100xi32, #tpu.memory_space<hbm>>
        tpu.enqueue_dma source(%dma_start3A_47 : memref<50x100xi32, #tpu.memory_space<hbm>>) target(%arg6 : memref<50x100xi32, #tpu.memory_space<vmem>>) target_semaphore(%run_scoped3A : memref<!tpu.dma_semaphore, #tpu.memory_space<semaphore_mem>>)
        %dma_wait3A = arith.constant 50 : i32
        %dma_wait3A_48 = arith.constant 0 : i32
        %dma_wait3A_49 = tpu.memref_slice %arg3[%arg1, %dma_wait3A, %dma_wait3A_48] : memref<16x100x100xi32, #tpu.memory_space<hbm>> -> memref<1x50x100xi32, #tpu.memory_space<hbm>>
        %dma_wait3A_50 = tpu.memref_squeeze %dma_wait3A_49 : memref<1x50x100xi32, #tpu.memory_space<hbm>> -> memref<50x100xi32, #tpu.memory_space<hbm>>
        %dma_wait3A_51 = arith.constant 50 : i32
        %dma_wait3A_52 = arith.constant 0 : i32
        %dma_wait3A_53 = tpu.memref_slice %arg3[%arg1, %dma_wait3A_51, %dma_wait3A_52] : memref<16x100x100xi32, #tpu.memory_space<hbm>> -> memref<1x50x100xi32, #tpu.memory_space<hbm>>
        %dma_wait3A_54 = tpu.memref_squeeze %dma_wait3A_53 : memref<1x50x100xi32, #tpu.memory_space<hbm>> -> memref<50x100xi32, #tpu.memory_space<hbm>>
        tpu.wait_dma2 semaphore(%run_scoped3A : memref<!tpu.dma_semaphore, #tpu.memory_space<semaphore_mem>>) src(%dma_wait3A_54 : memref<50x100xi32, #tpu.memory_space<hbm>>) dst(%arg6 : memref<50x100xi32, #tpu.memory_space<vmem>>)
        tpu.yield
      }) : () -> ()
      %mul3A_20 = arith.constant 10000 : i32
      %mul3A_21 = arith.muli %arg1, %mul3A_20 : i32
      %add3A_22 = arith.constant 5000 : i32
      %add3A_23 = arith.addi %mul3A_21, %add3A_22 : i32
      "tpu.region"() ({
        %run_scoped3A = tpu.sem_alloc : memref<!tpu.dma_semaphore, #tpu.memory_space<semaphore_mem>>
        %dma_start3A = arith.constant 0 : i32
        %dma_start3A_41 = tpu.memref_slice %arg2[%add3A_23, %dma_start3A] : memref<160000x16xf32, #tpu.memory_space<hbm>> -> memref<5000x16xf32, #tpu.memory_space<hbm>>
        %dma_start3A_42 = arith.constant 0 : i32
        %dma_start3A_43 = tpu.memref_slice %arg2[%add3A_23, %dma_start3A_42] : memref<160000x16xf32, #tpu.memory_space<hbm>> -> memref<5000x16xf32, #tpu.memory_space<hbm>>
        tpu.enqueue_dma source(%dma_start3A_43 : memref<5000x16xf32, #tpu.memory_space<hbm>>) target(%arg7 : memref<5000x16xf32, #tpu.memory_space<vmem>>) target_semaphore(%run_scoped3A : memref<!tpu.dma_semaphore, #tpu.memory_space<semaphore_mem>>)
        %dma_wait3A = arith.constant 0 : i32
        %dma_wait3A_44 = tpu.memref_slice %arg2[%add3A_23, %dma_wait3A] : memref<160000x16xf32, #tpu.memory_space<hbm>> -> memref<5000x16xf32, #tpu.memory_space<hbm>>
        %dma_wait3A_45 = arith.constant 0 : i32
        %dma_wait3A_46 = tpu.memref_slice %arg2[%add3A_23, %dma_wait3A_45] : memref<160000x16xf32, #tpu.memory_space<hbm>> -> memref<5000x16xf32, #tpu.memory_space<hbm>>
        tpu.wait_dma2 semaphore(%run_scoped3A : memref<!tpu.dma_semaphore, #tpu.memory_space<semaphore_mem>>) src(%dma_wait3A_46 : memref<5000x16xf32, #tpu.memory_space<hbm>>) dst(%arg7 : memref<5000x16xf32, #tpu.memory_space<vmem>>)
        tpu.yield
      }) : () -> ()
      %scan3A_24 = arith.constant 0 : i32
      %scan3A_25 = arith.constant 0 : i32
      %scan3A_26 = arith.constant 5 : i32
      %scan3A_27 = arith.addi %scan3A_25, %scan3A_26 : i32
      %scan3A_28 = arith.constant 1 : i32
      scf.for %scan3A_41 = %scan3A_25 to %scan3A_27 step %scan3A_28  : i32 {
        %mul3A_42 = arith.constant 10 : i32
        %mul3A_43 = arith.muli %scan3A_41, %mul3A_42 : i32
        %add3A_44 = arith.constant 0 : i32
        %add3A_45 = arith.addi %mul3A_43, %add3A_44 : i32
        %mul3A_46 = arith.constant 100 : i32
        %mul3A_47 = arith.muli %add3A_45, %mul3A_46 : i32
        %add3A_48 = arith.constant 0 : i32
        %add3A_49 = arith.addi %mul3A_43, %add3A_48 : i32
        %dma_start3A = arith.constant 0 : i32
        %dma_start3A_50 = tpu.memref_slice %arg7[%mul3A_47, %dma_start3A] : memref<5000x16xf32, #tpu.memory_space<vmem>> -> memref<100x16xf32, #tpu.memory_space<vmem>>
        %dma_start3A_51 = arith.constant 0 : i32
        %dma_start3A_52 = tpu.memref_slice %arg6[%add3A_49, %dma_start3A_51] : memref<50x100xi32, #tpu.memory_space<vmem>> -> memref<1x100xi32, #tpu.memory_space<vmem>>
        %dma_start3A_53 = tpu.memref_squeeze %dma_start3A_52 : memref<1x100xi32, #tpu.memory_space<vmem>> -> memref<100xi32, #tpu.memory_space<vmem>>
        %dma_start3A_54 = arith.constant 0 : i32
        %dma_start3A_55 = arith.constant 0 : i32
        %dma_start3A_56 = tpu.memref_slice %arg8[%dma_start3A_54, %dma_start3A_55] : memref<10000x16xf32, #tpu.memory_space<vmem_shared>> -> memref<10000x16xf32, #tpu.memory_space<vmem_shared>>
        tpu.enqueue_indirect_dma source(%dma_start3A_50 : memref<100x16xf32, #tpu.memory_space<vmem>>) target(%dma_start3A_56 : memref<10000x16xf32, #tpu.memory_space<vmem_shared>>) offsets(%dma_start3A_53 : memref<100xi32, #tpu.memory_space<vmem>>) semaphore(%arg9 : memref<!tpu.dma_semaphore, #tpu.memory_space<semaphore_mem>>) {add = true}
        %add3A_57 = arith.constant 1 : i32
        %add3A_58 = arith.addi %mul3A_43, %add3A_57 : i32
        %mul3A_59 = arith.constant 100 : i32
        %mul3A_60 = arith.muli %add3A_58, %mul3A_59 : i32
        %add3A_61 = arith.constant 1 : i32
        %add3A_62 = arith.addi %mul3A_43, %add3A_61 : i32
        %dma_start3A_63 = arith.constant 0 : i32
        %dma_start3A_64 = tpu.memref_slice %arg7[%mul3A_60, %dma_start3A_63] : memref<5000x16xf32, #tpu.memory_space<vmem>> -> memref<100x16xf32, #tpu.memory_space<vmem>>
        %dma_start3A_65 = arith.constant 0 : i32
        %dma_start3A_66 = tpu.memref_slice %arg6[%add3A_62, %dma_start3A_65] : memref<50x100xi32, #tpu.memory_space<vmem>> -> memref<1x100xi32, #tpu.memory_space<vmem>>
        %dma_start3A_67 = tpu.memref_squeeze %dma_start3A_66 : memref<1x100xi32, #tpu.memory_space<vmem>> -> memref<100xi32, #tpu.memory_space<vmem>>
        %dma_start3A_68 = arith.constant 0 : i32
        %dma_start3A_69 = arith.constant 0 : i32
        %dma_start3A_70 = tpu.memref_slice %arg8[%dma_start3A_68, %dma_start3A_69] : memref<10000x16xf32, #tpu.memory_space<vmem_shared>> -> memref<10000x16xf32, #tpu.memory_space<vmem_shared>>
        tpu.enqueue_indirect_dma source(%dma_start3A_64 : memref<100x16xf32, #tpu.memory_space<vmem>>) target(%dma_start3A_70 : memref<10000x16xf32, #tpu.memory_space<vmem_shared>>) offsets(%dma_start3A_67 : memref<100xi32, #tpu.memory_space<vmem>>) semaphore(%arg9 : memref<!tpu.dma_semaphore, #tpu.memory_space<semaphore_mem>>) {add = true}
        %add3A_71 = arith.constant 2 : i32
        %add3A_72 = arith.addi %mul3A_43, %add3A_71 : i32
        %mul3A_73 = arith.constant 100 : i32
        %mul3A_74 = arith.muli %add3A_72, %mul3A_73 : i32
        %add3A_75 = arith.constant 2 : i32
        %add3A_76 = arith.addi %mul3A_43, %add3A_75 : i32
        %dma_start3A_77 = arith.constant 0 : i32
        %dma_start3A_78 = tpu.memref_slice %arg7[%mul3A_74, %dma_start3A_77] : memref<5000x16xf32, #tpu.memory_space<vmem>> -> memref<100x16xf32, #tpu.memory_space<vmem>>
        %dma_start3A_79 = arith.constant 0 : i32
        %dma_start3A_80 = tpu.memref_slice %arg6[%add3A_76, %dma_start3A_79] : memref<50x100xi32, #tpu.memory_space<vmem>> -> memref<1x100xi32, #tpu.memory_space<vmem>>
        %dma_start3A_81 = tpu.memref_squeeze %dma_start3A_80 : memref<1x100xi32, #tpu.memory_space<vmem>> -> memref<100xi32, #tpu.memory_space<vmem>>
        %dma_start3A_82 = arith.constant 0 : i32
        %dma_start3A_83 = arith.constant 0 : i32
        %dma_start3A_84 = tpu.memref_slice %arg8[%dma_start3A_82, %dma_start3A_83] : memref<10000x16xf32, #tpu.memory_space<vmem_shared>> -> memref<10000x16xf32, #tpu.memory_space<vmem_shared>>
        tpu.enqueue_indirect_dma source(%dma_start3A_78 : memref<100x16xf32, #tpu.memory_space<vmem>>) target(%dma_start3A_84 : memref<10000x16xf32, #tpu.memory_space<vmem_shared>>) offsets(%dma_start3A_81 : memref<100xi32, #tpu.memory_space<vmem>>) semaphore(%arg9 : memref<!tpu.dma_semaphore, #tpu.memory_space<semaphore_mem>>) {add = true}
        %add3A_85 = arith.constant 3 : i32
        %add3A_86 = arith.addi %mul3A_43, %add3A_85 : i32
        %mul3A_87 = arith.constant 100 : i32
        %mul3A_88 = arith.muli %add3A_86, %mul3A_87 : i32
        %add3A_89 = arith.constant 3 : i32
        %add3A_90 = arith.addi %mul3A_43, %add3A_89 : i32
        %dma_start3A_91 = arith.constant 0 : i32
        %dma_start3A_92 = tpu.memref_slice %arg7[%mul3A_88, %dma_start3A_91] : memref<5000x16xf32, #tpu.memory_space<vmem>> -> memref<100x16xf32, #tpu.memory_space<vmem>>
        %dma_start3A_93 = arith.constant 0 : i32
        %dma_start3A_94 = tpu.memref_slice %arg6[%add3A_90, %dma_start3A_93] : memref<50x100xi32, #tpu.memory_space<vmem>> -> memref<1x100xi32, #tpu.memory_space<vmem>>
        %dma_start3A_95 = tpu.memref_squeeze %dma_start3A_94 : memref<1x100xi32, #tpu.memory_space<vmem>> -> memref<100xi32, #tpu.memory_space<vmem>>
        %dma_start3A_96 = arith.constant 0 : i32
        %dma_start3A_97 = arith.constant 0 : i32
        %dma_start3A_98 = tpu.memref_slice %arg8[%dma_start3A_96, %dma_start3A_97] : memref<10000x16xf32, #tpu.memory_space<vmem_shared>> -> memref<10000x16xf32, #tpu.memory_space<vmem_shared>>
        tpu.enqueue_indirect_dma source(%dma_start3A_92 : memref<100x16xf32, #tpu.memory_space<vmem>>) target(%dma_start3A_98 : memref<10000x16xf32, #tpu.memory_space<vmem_shared>>) offsets(%dma_start3A_95 : memref<100xi32, #tpu.memory_space<vmem>>) semaphore(%arg9 : memref<!tpu.dma_semaphore, #tpu.memory_space<semaphore_mem>>) {add = true}
        %add3A_99 = arith.constant 4 : i32
        %add3A_100 = arith.addi %mul3A_43, %add3A_99 : i32
        %mul3A_101 = arith.constant 100 : i32
        %mul3A_102 = arith.muli %add3A_100, %mul3A_101 : i32
        %add3A_103 = arith.constant 4 : i32
        %add3A_104 = arith.addi %mul3A_43, %add3A_103 : i32
        %dma_start3A_105 = arith.constant 0 : i32
        %dma_start3A_106 = tpu.memref_slice %arg7[%mul3A_102, %dma_start3A_105] : memref<5000x16xf32, #tpu.memory_space<vmem>> -> memref<100x16xf32, #tpu.memory_space<vmem>>
        %dma_start3A_107 = arith.constant 0 : i32
        %dma_start3A_108 = tpu.memref_slice %arg6[%add3A_104, %dma_start3A_107] : memref<50x100xi32, #tpu.memory_space<vmem>> -> memref<1x100xi32, #tpu.memory_space<vmem>>
        %dma_start3A_109 = tpu.memref_squeeze %dma_start3A_108 : memref<1x100xi32, #tpu.memory_space<vmem>> -> memref<100xi32, #tpu.memory_space<vmem>>
        %dma_start3A_110 = arith.constant 0 : i32
        %dma_start3A_111 = arith.constant 0 : i32
        %dma_start3A_112 = tpu.memref_slice %arg8[%dma_start3A_110, %dma_start3A_111] : memref<10000x16xf32, #tpu.memory_space<vmem_shared>> -> memref<10000x16xf32, #tpu.memory_space<vmem_shared>>
        tpu.enqueue_indirect_dma source(%dma_start3A_106 : memref<100x16xf32, #tpu.memory_space<vmem>>) target(%dma_start3A_112 : memref<10000x16xf32, #tpu.memory_space<vmem_shared>>) offsets(%dma_start3A_109 : memref<100xi32, #tpu.memory_space<vmem>>) semaphore(%arg9 : memref<!tpu.dma_semaphore, #tpu.memory_space<semaphore_mem>>) {add = true}
        %add3A_113 = arith.constant 5 : i32
        %add3A_114 = arith.addi %mul3A_43, %add3A_113 : i32
        %mul3A_115 = arith.constant 100 : i32
        %mul3A_116 = arith.muli %add3A_114, %mul3A_115 : i32
        %add3A_117 = arith.constant 5 : i32
        %add3A_118 = arith.addi %mul3A_43, %add3A_117 : i32
        %dma_start3A_119 = arith.constant 0 : i32
        %dma_start3A_120 = tpu.memref_slice %arg7[%mul3A_116, %dma_start3A_119] : memref<5000x16xf32, #tpu.memory_space<vmem>> -> memref<100x16xf32, #tpu.memory_space<vmem>>
        %dma_start3A_121 = arith.constant 0 : i32
        %dma_start3A_122 = tpu.memref_slice %arg6[%add3A_118, %dma_start3A_121] : memref<50x100xi32, #tpu.memory_space<vmem>> -> memref<1x100xi32, #tpu.memory_space<vmem>>
        %dma_start3A_123 = tpu.memref_squeeze %dma_start3A_122 : memref<1x100xi32, #tpu.memory_space<vmem>> -> memref<100xi32, #tpu.memory_space<vmem>>
        %dma_start3A_124 = arith.constant 0 : i32
        %dma_start3A_125 = arith.constant 0 : i32
        %dma_start3A_126 = tpu.memref_slice %arg8[%dma_start3A_124, %dma_start3A_125] : memref<10000x16xf32, #tpu.memory_space<vmem_shared>> -> memref<10000x16xf32, #tpu.memory_space<vmem_shared>>
        tpu.enqueue_indirect_dma source(%dma_start3A_120 : memref<100x16xf32, #tpu.memory_space<vmem>>) target(%dma_start3A_126 : memref<10000x16xf32, #tpu.memory_space<vmem_shared>>) offsets(%dma_start3A_123 : memref<100xi32, #tpu.memory_space<vmem>>) semaphore(%arg9 : memref<!tpu.dma_semaphore, #tpu.memory_space<semaphore_mem>>) {add = true}
        %add3A_127 = arith.constant 6 : i32
        %add3A_128 = arith.addi %mul3A_43, %add3A_127 : i32
        %mul3A_129 = arith.constant 100 : i32
        %mul3A_130 = arith.muli %add3A_128, %mul3A_129 : i32
        %add3A_131 = arith.constant 6 : i32
        %add3A_132 = arith.addi %mul3A_43, %add3A_131 : i32
        %dma_start3A_133 = arith.constant 0 : i32
        %dma_start3A_134 = tpu.memref_slice %arg7[%mul3A_130, %dma_start3A_133] : memref<5000x16xf32, #tpu.memory_space<vmem>> -> memref<100x16xf32, #tpu.memory_space<vmem>>
        %dma_start3A_135 = arith.constant 0 : i32
        %dma_start3A_136 = tpu.memref_slice %arg6[%add3A_132, %dma_start3A_135] : memref<50x100xi32, #tpu.memory_space<vmem>> -> memref<1x100xi32, #tpu.memory_space<vmem>>
        %dma_start3A_137 = tpu.memref_squeeze %dma_start3A_136 : memref<1x100xi32, #tpu.memory_space<vmem>> -> memref<100xi32, #tpu.memory_space<vmem>>
        %dma_start3A_138 = arith.constant 0 : i32
        %dma_start3A_139 = arith.constant 0 : i32
        %dma_start3A_140 = tpu.memref_slice %arg8[%dma_start3A_138, %dma_start3A_139] : memref<10000x16xf32, #tpu.memory_space<vmem_shared>> -> memref<10000x16xf32, #tpu.memory_space<vmem_shared>>
        tpu.enqueue_indirect_dma source(%dma_start3A_134 : memref<100x16xf32, #tpu.memory_space<vmem>>) target(%dma_start3A_140 : memref<10000x16xf32, #tpu.memory_space<vmem_shared>>) offsets(%dma_start3A_137 : memref<100xi32, #tpu.memory_space<vmem>>) semaphore(%arg9 : memref<!tpu.dma_semaphore, #tpu.memory_space<semaphore_mem>>) {add = true}
        %add3A_141 = arith.constant 7 : i32
        %add3A_142 = arith.addi %mul3A_43, %add3A_141 : i32
        %mul3A_143 = arith.constant 100 : i32
        %mul3A_144 = arith.muli %add3A_142, %mul3A_143 : i32
        %add3A_145 = arith.constant 7 : i32
        %add3A_146 = arith.addi %mul3A_43, %add3A_145 : i32
        %dma_start3A_147 = arith.constant 0 : i32
        %dma_start3A_148 = tpu.memref_slice %arg7[%mul3A_144, %dma_start3A_147] : memref<5000x16xf32, #tpu.memory_space<vmem>> -> memref<100x16xf32, #tpu.memory_space<vmem>>
        %dma_start3A_149 = arith.constant 0 : i32
        %dma_start3A_150 = tpu.memref_slice %arg6[%add3A_146, %dma_start3A_149] : memref<50x100xi32, #tpu.memory_space<vmem>> -> memref<1x100xi32, #tpu.memory_space<vmem>>
        %dma_start3A_151 = tpu.memref_squeeze %dma_start3A_150 : memref<1x100xi32, #tpu.memory_space<vmem>> -> memref<100xi32, #tpu.memory_space<vmem>>
        %dma_start3A_152 = arith.constant 0 : i32
        %dma_start3A_153 = arith.constant 0 : i32
        %dma_start3A_154 = tpu.memref_slice %arg8[%dma_start3A_152, %dma_start3A_153] : memref<10000x16xf32, #tpu.memory_space<vmem_shared>> -> memref<10000x16xf32, #tpu.memory_space<vmem_shared>>
        tpu.enqueue_indirect_dma source(%dma_start3A_148 : memref<100x16xf32, #tpu.memory_space<vmem>>) target(%dma_start3A_154 : memref<10000x16xf32, #tpu.memory_space<vmem_shared>>) offsets(%dma_start3A_151 : memref<100xi32, #tpu.memory_space<vmem>>) semaphore(%arg9 : memref<!tpu.dma_semaphore, #tpu.memory_space<semaphore_mem>>) {add = true}
        %add3A_155 = arith.constant 8 : i32
        %add3A_156 = arith.addi %mul3A_43, %add3A_155 : i32
        %mul3A_157 = arith.constant 100 : i32
        %mul3A_158 = arith.muli %add3A_156, %mul3A_157 : i32
        %add3A_159 = arith.constant 8 : i32
        %add3A_160 = arith.addi %mul3A_43, %add3A_159 : i32
        %dma_start3A_161 = arith.constant 0 : i32
        %dma_start3A_162 = tpu.memref_slice %arg7[%mul3A_158, %dma_start3A_161] : memref<5000x16xf32, #tpu.memory_space<vmem>> -> memref<100x16xf32, #tpu.memory_space<vmem>>
        %dma_start3A_163 = arith.constant 0 : i32
        %dma_start3A_164 = tpu.memref_slice %arg6[%add3A_160, %dma_start3A_163] : memref<50x100xi32, #tpu.memory_space<vmem>> -> memref<1x100xi32, #tpu.memory_space<vmem>>
        %dma_start3A_165 = tpu.memref_squeeze %dma_start3A_164 : memref<1x100xi32, #tpu.memory_space<vmem>> -> memref<100xi32, #tpu.memory_space<vmem>>
        %dma_start3A_166 = arith.constant 0 : i32
        %dma_start3A_167 = arith.constant 0 : i32
        %dma_start3A_168 = tpu.memref_slice %arg8[%dma_start3A_166, %dma_start3A_167] : memref<10000x16xf32, #tpu.memory_space<vmem_shared>> -> memref<10000x16xf32, #tpu.memory_space<vmem_shared>>
        tpu.enqueue_indirect_dma source(%dma_start3A_162 : memref<100x16xf32, #tpu.memory_space<vmem>>) target(%dma_start3A_168 : memref<10000x16xf32, #tpu.memory_space<vmem_shared>>) offsets(%dma_start3A_165 : memref<100xi32, #tpu.memory_space<vmem>>) semaphore(%arg9 : memref<!tpu.dma_semaphore, #tpu.memory_space<semaphore_mem>>) {add = true}
        %add3A_169 = arith.constant 9 : i32
        %add3A_170 = arith.addi %mul3A_43, %add3A_169 : i32
        %mul3A_171 = arith.constant 100 : i32
        %mul3A_172 = arith.muli %add3A_170, %mul3A_171 : i32
        %add3A_173 = arith.constant 9 : i32
        %add3A_174 = arith.addi %mul3A_43, %add3A_173 : i32
        %dma_start3A_175 = arith.constant 0 : i32
        %dma_start3A_176 = tpu.memref_slice %arg7[%mul3A_172, %dma_start3A_175] : memref<5000x16xf32, #tpu.memory_space<vmem>> -> memref<100x16xf32, #tpu.memory_space<vmem>>
        %dma_start3A_177 = arith.constant 0 : i32
        %dma_start3A_178 = tpu.memref_slice %arg6[%add3A_174, %dma_start3A_177] : memref<50x100xi32, #tpu.memory_space<vmem>> -> memref<1x100xi32, #tpu.memory_space<vmem>>
        %dma_start3A_179 = tpu.memref_squeeze %dma_start3A_178 : memref<1x100xi32, #tpu.memory_space<vmem>> -> memref<100xi32, #tpu.memory_space<vmem>>
        %dma_start3A_180 = arith.constant 0 : i32
        %dma_start3A_181 = arith.constant 0 : i32
        %dma_start3A_182 = tpu.memref_slice %arg8[%dma_start3A_180, %dma_start3A_181] : memref<10000x16xf32, #tpu.memory_space<vmem_shared>> -> memref<10000x16xf32, #tpu.memory_space<vmem_shared>>
        tpu.enqueue_indirect_dma source(%dma_start3A_176 : memref<100x16xf32, #tpu.memory_space<vmem>>) target(%dma_start3A_182 : memref<10000x16xf32, #tpu.memory_space<vmem_shared>>) offsets(%dma_start3A_179 : memref<100xi32, #tpu.memory_space<vmem>>) semaphore(%arg9 : memref<!tpu.dma_semaphore, #tpu.memory_space<semaphore_mem>>) {add = true}
        %dma_wait3A = arith.constant 0 : i32
        %dma_wait3A_183 = tpu.memref_slice %arg7[%mul3A_47, %dma_wait3A] : memref<5000x16xf32, #tpu.memory_space<vmem>> -> memref<100x16xf32, #tpu.memory_space<vmem>>
        %dma_wait3A_184 = arith.constant 0 : i32
        %dma_wait3A_185 = tpu.memref_slice %arg6[%add3A_49, %dma_wait3A_184] : memref<50x100xi32, #tpu.memory_space<vmem>> -> memref<1x100xi32, #tpu.memory_space<vmem>>
        %dma_wait3A_186 = tpu.memref_squeeze %dma_wait3A_185 : memref<1x100xi32, #tpu.memory_space<vmem>> -> memref<100xi32, #tpu.memory_space<vmem>>
        %dma_wait3A_187 = arith.constant 0 : i32
        %dma_wait3A_188 = arith.constant 0 : i32
        %dma_wait3A_189 = tpu.memref_slice %arg8[%dma_wait3A_187, %dma_wait3A_188] : memref<10000x16xf32, #tpu.memory_space<vmem_shared>> -> memref<10000x16xf32, #tpu.memory_space<vmem_shared>>
        tpu.wait_indirect_dma semaphore(%arg9 : memref<!tpu.dma_semaphore, #tpu.memory_space<semaphore_mem>>) src(%dma_wait3A_183 : memref<100x16xf32, #tpu.memory_space<vmem>>) dst(%dma_wait3A_189 : memref<10000x16xf32, #tpu.memory_space<vmem_shared>>)
        %dma_wait3A_190 = arith.constant 0 : i32
        %dma_wait3A_191 = tpu.memref_slice %arg7[%mul3A_60, %dma_wait3A_190] : memref<5000x16xf32, #tpu.memory_space<vmem>> -> memref<100x16xf32, #tpu.memory_space<vmem>>
        %dma_wait3A_192 = arith.constant 0 : i32
        %dma_wait3A_193 = tpu.memref_slice %arg6[%add3A_62, %dma_wait3A_192] : memref<50x100xi32, #tpu.memory_space<vmem>> -> memref<1x100xi32, #tpu.memory_space<vmem>>
        %dma_wait3A_194 = tpu.memref_squeeze %dma_wait3A_193 : memref<1x100xi32, #tpu.memory_space<vmem>> -> memref<100xi32, #tpu.memory_space<vmem>>
        %dma_wait3A_195 = arith.constant 0 : i32
        %dma_wait3A_196 = arith.constant 0 : i32
        %dma_wait3A_197 = tpu.memref_slice %arg8[%dma_wait3A_195, %dma_wait3A_196] : memref<10000x16xf32, #tpu.memory_space<vmem_shared>> -> memref<10000x16xf32, #tpu.memory_space<vmem_shared>>
        tpu.wait_indirect_dma semaphore(%arg9 : memref<!tpu.dma_semaphore, #tpu.memory_space<semaphore_mem>>) src(%dma_wait3A_191 : memref<100x16xf32, #tpu.memory_space<vmem>>) dst(%dma_wait3A_197 : memref<10000x16xf32, #tpu.memory_space<vmem_shared>>)
        %dma_wait3A_198 = arith.constant 0 : i32
        %dma_wait3A_199 = tpu.memref_slice %arg7[%mul3A_74, %dma_wait3A_198] : memref<5000x16xf32, #tpu.memory_space<vmem>> -> memref<100x16xf32, #tpu.memory_space<vmem>>
        %dma_wait3A_200 = arith.constant 0 : i32
        %dma_wait3A_201 = tpu.memref_slice %arg6[%add3A_76, %dma_wait3A_200] : memref<50x100xi32, #tpu.memory_space<vmem>> -> memref<1x100xi32, #tpu.memory_space<vmem>>
        %dma_wait3A_202 = tpu.memref_squeeze %dma_wait3A_201 : memref<1x100xi32, #tpu.memory_space<vmem>> -> memref<100xi32, #tpu.memory_space<vmem>>
        %dma_wait3A_203 = arith.constant 0 : i32
        %dma_wait3A_204 = arith.constant 0 : i32
        %dma_wait3A_205 = tpu.memref_slice %arg8[%dma_wait3A_203, %dma_wait3A_204] : memref<10000x16xf32, #tpu.memory_space<vmem_shared>> -> memref<10000x16xf32, #tpu.memory_space<vmem_shared>>
        tpu.wait_indirect_dma semaphore(%arg9 : memref<!tpu.dma_semaphore, #tpu.memory_space<semaphore_mem>>) src(%dma_wait3A_199 : memref<100x16xf32, #tpu.memory_space<vmem>>) dst(%dma_wait3A_205 : memref<10000x16xf32, #tpu.memory_space<vmem_shared>>)
        %dma_wait3A_206 = arith.constant 0 : i32
        %dma_wait3A_207 = tpu.memref_slice %arg7[%mul3A_88, %dma_wait3A_206] : memref<5000x16xf32, #tpu.memory_space<vmem>> -> memref<100x16xf32, #tpu.memory_space<vmem>>
        %dma_wait3A_208 = arith.constant 0 : i32
        %dma_wait3A_209 = tpu.memref_slice %arg6[%add3A_90, %dma_wait3A_208] : memref<50x100xi32, #tpu.memory_space<vmem>> -> memref<1x100xi32, #tpu.memory_space<vmem>>
        %dma_wait3A_210 = tpu.memref_squeeze %dma_wait3A_209 : memref<1x100xi32, #tpu.memory_space<vmem>> -> memref<100xi32, #tpu.memory_space<vmem>>
        %dma_wait3A_211 = arith.constant 0 : i32
        %dma_wait3A_212 = arith.constant 0 : i32
        %dma_wait3A_213 = tpu.memref_slice %arg8[%dma_wait3A_211, %dma_wait3A_212] : memref<10000x16xf32, #tpu.memory_space<vmem_shared>> -> memref<10000x16xf32, #tpu.memory_space<vmem_shared>>
        tpu.wait_indirect_dma semaphore(%arg9 : memref<!tpu.dma_semaphore, #tpu.memory_space<semaphore_mem>>) src(%dma_wait3A_207 : memref<100x16xf32, #tpu.memory_space<vmem>>) dst(%dma_wait3A_213 : memref<10000x16xf32, #tpu.memory_space<vmem_shared>>)
        %dma_wait3A_214 = arith.constant 0 : i32
        %dma_wait3A_215 = tpu.memref_slice %arg7[%mul3A_102, %dma_wait3A_214] : memref<5000x16xf32, #tpu.memory_space<vmem>> -> memref<100x16xf32, #tpu.memory_space<vmem>>
        %dma_wait3A_216 = arith.constant 0 : i32
        %dma_wait3A_217 = tpu.memref_slice %arg6[%add3A_104, %dma_wait3A_216] : memref<50x100xi32, #tpu.memory_space<vmem>> -> memref<1x100xi32, #tpu.memory_space<vmem>>
        %dma_wait3A_218 = tpu.memref_squeeze %dma_wait3A_217 : memref<1x100xi32, #tpu.memory_space<vmem>> -> memref<100xi32, #tpu.memory_space<vmem>>
        %dma_wait3A_219 = arith.constant 0 : i32
        %dma_wait3A_220 = arith.constant 0 : i32
        %dma_wait3A_221 = tpu.memref_slice %arg8[%dma_wait3A_219, %dma_wait3A_220] : memref<10000x16xf32, #tpu.memory_space<vmem_shared>> -> memref<10000x16xf32, #tpu.memory_space<vmem_shared>>
        tpu.wait_indirect_dma semaphore(%arg9 : memref<!tpu.dma_semaphore, #tpu.memory_space<semaphore_mem>>) src(%dma_wait3A_215 : memref<100x16xf32, #tpu.memory_space<vmem>>) dst(%dma_wait3A_221 : memref<10000x16xf32, #tpu.memory_space<vmem_shared>>)
        %dma_wait3A_222 = arith.constant 0 : i32
        %dma_wait3A_223 = tpu.memref_slice %arg7[%mul3A_116, %dma_wait3A_222] : memref<5000x16xf32, #tpu.memory_space<vmem>> -> memref<100x16xf32, #tpu.memory_space<vmem>>
        %dma_wait3A_224 = arith.constant 0 : i32
        %dma_wait3A_225 = tpu.memref_slice %arg6[%add3A_118, %dma_wait3A_224] : memref<50x100xi32, #tpu.memory_space<vmem>> -> memref<1x100xi32, #tpu.memory_space<vmem>>
        %dma_wait3A_226 = tpu.memref_squeeze %dma_wait3A_225 : memref<1x100xi32, #tpu.memory_space<vmem>> -> memref<100xi32, #tpu.memory_space<vmem>>
        %dma_wait3A_227 = arith.constant 0 : i32
        %dma_wait3A_228 = arith.constant 0 : i32
        %dma_wait3A_229 = tpu.memref_slice %arg8[%dma_wait3A_227, %dma_wait3A_228] : memref<10000x16xf32, #tpu.memory_space<vmem_shared>> -> memref<10000x16xf32, #tpu.memory_space<vmem_shared>>
        tpu.wait_indirect_dma semaphore(%arg9 : memref<!tpu.dma_semaphore, #tpu.memory_space<semaphore_mem>>) src(%dma_wait3A_223 : memref<100x16xf32, #tpu.memory_space<vmem>>) dst(%dma_wait3A_229 : memref<10000x16xf32, #tpu.memory_space<vmem_shared>>)
        %dma_wait3A_230 = arith.constant 0 : i32
        %dma_wait3A_231 = tpu.memref_slice %arg7[%mul3A_130, %dma_wait3A_230] : memref<5000x16xf32, #tpu.memory_space<vmem>> -> memref<100x16xf32, #tpu.memory_space<vmem>>
        %dma_wait3A_232 = arith.constant 0 : i32
        %dma_wait3A_233 = tpu.memref_slice %arg6[%add3A_132, %dma_wait3A_232] : memref<50x100xi32, #tpu.memory_space<vmem>> -> memref<1x100xi32, #tpu.memory_space<vmem>>
        %dma_wait3A_234 = tpu.memref_squeeze %dma_wait3A_233 : memref<1x100xi32, #tpu.memory_space<vmem>> -> memref<100xi32, #tpu.memory_space<vmem>>
        %dma_wait3A_235 = arith.constant 0 : i32
        %dma_wait3A_236 = arith.constant 0 : i32
        %dma_wait3A_237 = tpu.memref_slice %arg8[%dma_wait3A_235, %dma_wait3A_236] : memref<10000x16xf32, #tpu.memory_space<vmem_shared>> -> memref<10000x16xf32, #tpu.memory_space<vmem_shared>>
        tpu.wait_indirect_dma semaphore(%arg9 : memref<!tpu.dma_semaphore, #tpu.memory_space<semaphore_mem>>) src(%dma_wait3A_231 : memref<100x16xf32, #tpu.memory_space<vmem>>) dst(%dma_wait3A_237 : memref<10000x16xf32, #tpu.memory_space<vmem_shared>>)
        %dma_wait3A_238 = arith.constant 0 : i32
        %dma_wait3A_239 = tpu.memref_slice %arg7[%mul3A_144, %dma_wait3A_238] : memref<5000x16xf32, #tpu.memory_space<vmem>> -> memref<100x16xf32, #tpu.memory_space<vmem>>
        %dma_wait3A_240 = arith.constant 0 : i32
        %dma_wait3A_241 = tpu.memref_slice %arg6[%add3A_146, %dma_wait3A_240] : memref<50x100xi32, #tpu.memory_space<vmem>> -> memref<1x100xi32, #tpu.memory_space<vmem>>
        %dma_wait3A_242 = tpu.memref_squeeze %dma_wait3A_241 : memref<1x100xi32, #tpu.memory_space<vmem>> -> memref<100xi32, #tpu.memory_space<vmem>>
        %dma_wait3A_243 = arith.constant 0 : i32
        %dma_wait3A_244 = arith.constant 0 : i32
        %dma_wait3A_245 = tpu.memref_slice %arg8[%dma_wait3A_243, %dma_wait3A_244] : memref<10000x16xf32, #tpu.memory_space<vmem_shared>> -> memref<10000x16xf32, #tpu.memory_space<vmem_shared>>
        tpu.wait_indirect_dma semaphore(%arg9 : memref<!tpu.dma_semaphore, #tpu.memory_space<semaphore_mem>>) src(%dma_wait3A_239 : memref<100x16xf32, #tpu.memory_space<vmem>>) dst(%dma_wait3A_245 : memref<10000x16xf32, #tpu.memory_space<vmem_shared>>)
        %dma_wait3A_246 = arith.constant 0 : i32
        %dma_wait3A_247 = tpu.memref_slice %arg7[%mul3A_158, %dma_wait3A_246] : memref<5000x16xf32, #tpu.memory_space<vmem>> -> memref<100x16xf32, #tpu.memory_space<vmem>>
        %dma_wait3A_248 = arith.constant 0 : i32
        %dma_wait3A_249 = tpu.memref_slice %arg6[%add3A_160, %dma_wait3A_248] : memref<50x100xi32, #tpu.memory_space<vmem>> -> memref<1x100xi32, #tpu.memory_space<vmem>>
        %dma_wait3A_250 = tpu.memref_squeeze %dma_wait3A_249 : memref<1x100xi32, #tpu.memory_space<vmem>> -> memref<100xi32, #tpu.memory_space<vmem>>
        %dma_wait3A_251 = arith.constant 0 : i32
        %dma_wait3A_252 = arith.constant 0 : i32
        %dma_wait3A_253 = tpu.memref_slice %arg8[%dma_wait3A_251, %dma_wait3A_252] : memref<10000x16xf32, #tpu.memory_space<vmem_shared>> -> memref<10000x16xf32, #tpu.memory_space<vmem_shared>>
        tpu.wait_indirect_dma semaphore(%arg9 : memref<!tpu.dma_semaphore, #tpu.memory_space<semaphore_mem>>) src(%dma_wait3A_247 : memref<100x16xf32, #tpu.memory_space<vmem>>) dst(%dma_wait3A_253 : memref<10000x16xf32, #tpu.memory_space<vmem_shared>>)
        %dma_wait3A_254 = arith.constant 0 : i32
        %dma_wait3A_255 = tpu.memref_slice %arg7[%mul3A_172, %dma_wait3A_254] : memref<5000x16xf32, #tpu.memory_space<vmem>> -> memref<100x16xf32, #tpu.memory_space<vmem>>
        %dma_wait3A_256 = arith.constant 0 : i32
        %dma_wait3A_257 = tpu.memref_slice %arg6[%add3A_174, %dma_wait3A_256] : memref<50x100xi32, #tpu.memory_space<vmem>> -> memref<1x100xi32, #tpu.memory_space<vmem>>
        %dma_wait3A_258 = tpu.memref_squeeze %dma_wait3A_257 : memref<1x100xi32, #tpu.memory_space<vmem>> -> memref<100xi32, #tpu.memory_space<vmem>>
        %dma_wait3A_259 = arith.constant 0 : i32
        %dma_wait3A_260 = arith.constant 0 : i32
        %dma_wait3A_261 = tpu.memref_slice %arg8[%dma_wait3A_259, %dma_wait3A_260] : memref<10000x16xf32, #tpu.memory_space<vmem_shared>> -> memref<10000x16xf32, #tpu.memory_space<vmem_shared>>
        tpu.wait_indirect_dma semaphore(%arg9 : memref<!tpu.dma_semaphore, #tpu.memory_space<semaphore_mem>>) src(%dma_wait3A_255 : memref<100x16xf32, #tpu.memory_space<vmem>>) dst(%dma_wait3A_261 : memref<10000x16xf32, #tpu.memory_space<vmem_shared>>)
      }
      %scan3A_29 = arith.constant 5 : i32
      %barrier3A_30 = arith.constant 0 : index
      tpu.barrier barrier_id(%barrier3A_30)
      %lt3A_31 = arith.constant 15 : i32
      %lt3A_32 = arith.cmpi slt, %arg1, %lt3A_31 : i32
      %convert_element_type3A_33 = arith.extui %lt3A_32 : i1 to i32
      %cond3A_34 = arith.constant 0 : i32
      %cond3A_35 = arith.cmpi ne, %convert_element_type3A_33, %cond3A_34 : i32
      scf.if %cond3A_35 {
        "tpu.region"() ({
          %run_scoped3A = tpu.sem_alloc : memref<!tpu.dma_semaphore, #tpu.memory_space<semaphore_mem>>
          %dma_start3A = arith.constant 0 : i32
          %dma_start3A_41 = tpu.memref_slice %arg5[%mul3A_2, %dma_start3A] : memref<10000x16xf32, #tpu.memory_space<hbm>> -> memref<640x16xf32, #tpu.memory_space<hbm>>
          %dma_start3A_42 = arith.constant 0 : i32
          %dma_start3A_43 = tpu.memref_slice %arg8[%mul3A_2, %dma_start3A_42] : memref<10000x16xf32, #tpu.memory_space<vmem_shared>> -> memref<640x16xf32, #tpu.memory_space<vmem_shared>>
          tpu.enqueue_dma source(%dma_start3A_43 : memref<640x16xf32, #tpu.memory_space<vmem_shared>>) target(%dma_start3A_41 : memref<640x16xf32, #tpu.memory_space<hbm>>) target_semaphore(%run_scoped3A : memref<!tpu.dma_semaphore, #tpu.memory_space<semaphore_mem>>)
          %dma_wait3A = arith.constant 0 : i32
          %dma_wait3A_44 = tpu.memref_slice %arg5[%mul3A_2, %dma_wait3A] : memref<10000x16xf32, #tpu.memory_space<hbm>> -> memref<640x16xf32, #tpu.memory_space<hbm>>
          %dma_wait3A_45 = arith.constant 0 : i32
          %dma_wait3A_46 = tpu.memref_slice %arg8[%mul3A_2, %dma_wait3A_45] : memref<10000x16xf32, #tpu.memory_space<vmem_shared>> -> memref<640x16xf32, #tpu.memory_space<vmem_shared>>
          tpu.wait_dma2 semaphore(%run_scoped3A : memref<!tpu.dma_semaphore, #tpu.memory_space<semaphore_mem>>) src(%dma_wait3A_46 : memref<640x16xf32, #tpu.memory_space<vmem_shared>>) dst(%dma_wait3A_44 : memref<640x16xf32, #tpu.memory_space<hbm>>)
          tpu.yield
        }) : () -> ()
      } else {
      }
      %eq3A_36 = arith.constant 15 : i32
      %eq3A_37 = arith.cmpi eq, %arg1, %eq3A_36 : i32
      %convert_element_type3A_38 = arith.extui %eq3A_37 : i1 to i32
      %cond3A_39 = arith.constant 0 : i32
      %cond3A_40 = arith.cmpi ne, %convert_element_type3A_38, %cond3A_39 : i32
      scf.if %cond3A_40 {
        "tpu.region"() ({
          %run_scoped3A = tpu.sem_alloc : memref<!tpu.dma_semaphore, #tpu.memory_space<semaphore_mem>>
          %dma_start3A = arith.constant 0 : i32
          %dma_start3A_41 = tpu.memref_slice %arg5[%mul3A_2, %dma_start3A] : memref<10000x16xf32, #tpu.memory_space<hbm>> -> memref<400x16xf32, #tpu.memory_space<hbm>>
          %dma_start3A_42 = arith.constant 0 : i32
          %dma_start3A_43 = tpu.memref_slice %arg8[%mul3A_2, %dma_start3A_42] : memref<10000x16xf32, #tpu.memory_space<vmem_shared>> -> memref<400x16xf32, #tpu.memory_space<vmem_shared>>
          tpu.enqueue_dma source(%dma_start3A_43 : memref<400x16xf32, #tpu.memory_space<vmem_shared>>) target(%dma_start3A_41 : memref<400x16xf32, #tpu.memory_space<hbm>>) target_semaphore(%run_scoped3A : memref<!tpu.dma_semaphore, #tpu.memory_space<semaphore_mem>>)
          %dma_wait3A = arith.constant 0 : i32
          %dma_wait3A_44 = tpu.memref_slice %arg5[%mul3A_2, %dma_wait3A] : memref<10000x16xf32, #tpu.memory_space<hbm>> -> memref<400x16xf32, #tpu.memory_space<hbm>>
          %dma_wait3A_45 = arith.constant 0 : i32
          %dma_wait3A_46 = tpu.memref_slice %arg8[%mul3A_2, %dma_wait3A_45] : memref<10000x16xf32, #tpu.memory_space<vmem_shared>> -> memref<400x16xf32, #tpu.memory_space<vmem_shared>>
          tpu.wait_dma2 semaphore(%run_scoped3A : memref<!tpu.dma_semaphore, #tpu.memory_space<semaphore_mem>>) src(%dma_wait3A_46 : memref<400x16xf32, #tpu.memory_space<vmem_shared>>) dst(%dma_wait3A_44 : memref<400x16xf32, #tpu.memory_space<hbm>>)
          tpu.yield
        }) : () -> ()
      } else {
      }
    } else {
    }
    return
  }
}

module attributes {stable_mosaic.version = 14 : i64} {
  func.func @_messages_body(%arg0: i32, %arg1: memref<2000x128xf32, #tpu.memory_space<vmem>>, %arg2: memref<2000x128xf32, #tpu.memory_space<vmem>>, %arg3: memref<128x2048xf32, #tpu.memory_space<vmem>>, %arg4: memref<1x2048xf32, #tpu.memory_space<vmem>>, %arg5: memref<1250x128xf32, #tpu.memory_space<vmem>>, %arg6: memref<128x128xf32, #tpu.memory_space<vmem>>, %arg7: memref<1x128xf32, #tpu.memory_space<vmem>>, %arg8: memref<128x2048xf32, #tpu.memory_space<vmem>>, %arg9: memref<2048x128xf32, #tpu.memory_space<vmem>>, %arg10: memref<2000x128xf32, #tpu.memory_space<vmem>>, %arg11: memref<1250x128xf32, #tpu.memory_space<vmem>>) attributes {dimension_semantics = [#tpu.dimension_semantics<arbitrary>], iteration_bounds = array<i64: 10>, scalar_prefetch = 0 : i64, scratch_operands = 0 : i64, tpu.core_type = #tpu.core_type<tc>, window_params = [{transform_indices = @transform_0, window_bounds = array<i64: 2000, 128>}, {transform_indices = @transform_1, window_bounds = array<i64: 2000, 128>}, {pipeline_mode = #tpu.pipeline_mode<synchronous>, transform_indices = @transform_2, window_bounds = array<i64: 128, 2048>}, {pipeline_mode = #tpu.pipeline_mode<synchronous>, transform_indices = @transform_3, window_bounds = array<i64: 1, 2048>}, {pipeline_mode = #tpu.pipeline_mode<synchronous>, transform_indices = @transform_4, window_bounds = array<i64: 1250, 128>}, {pipeline_mode = #tpu.pipeline_mode<synchronous>, transform_indices = @transform_5, window_bounds = array<i64: 128, 128>}, {pipeline_mode = #tpu.pipeline_mode<synchronous>, transform_indices = @transform_6, window_bounds = array<i64: 1, 128>}, {pipeline_mode = #tpu.pipeline_mode<synchronous>, transform_indices = @transform_7, window_bounds = array<i64: 128, 2048>}, {pipeline_mode = #tpu.pipeline_mode<synchronous>, transform_indices = @transform_8, window_bounds = array<i64: 2048, 128>}, {transform_indices = @transform_9, window_bounds = array<i64: 2000, 128>}, {pipeline_mode = #tpu.pipeline_mode<synchronous>, transform_indices = @transform_10, window_bounds = array<i64: 1250, 128>}]} {
    %get3A = arith.constant 0 : index
    %get3A_0 = arith.constant 0 : index
    %get3A_1 = vector.load %arg2[%get3A, %get3A_0] : memref<2000x128xf32, #tpu.memory_space<vmem>>, vector<2000x128xf32>
    %get3A_2 = arith.constant 0 : index
    %get3A_3 = arith.constant 0 : index
    %get3A_4 = vector.load %arg3[%get3A_2, %get3A_3] : memref<128x2048xf32, #tpu.memory_space<vmem>>, vector<128x2048xf32>
    %dot_general3A = arith.constant dense<0.000000e+00> : vector<2000x2048xf32>
    %dot_general3A_5 = tpu.matmul %get3A_1, %get3A_4, %dot_general3A {dimension_numbers = #tpu.dot_dimension_numbers<[1], [0], [0], [1], [0, 0, 1, 1], [], []>, transpose_lhs_hint = false} : vector<2000x128xf32>, vector<128x2048xf32>, vector<2000x2048xf32> -> vector<2000x2048xf32>
    %get3A_6 = arith.constant 0 : index
    %get3A_7 = arith.constant 0 : index
    %get3A_8 = vector.load %arg4[%get3A_6, %get3A_7] : memref<1x2048xf32, #tpu.memory_space<vmem>>, vector<1x2048xf32>
    %add3A = vector.broadcast %get3A_8 : vector<1x2048xf32> to vector<2000x2048xf32>
    %add3A_9 = arith.addf %dot_general3A_5, %add3A : vector<2000x2048xf32>
    %get3A_10 = arith.constant 0 : index
    %get3A_11 = arith.constant 0 : index
    %get3A_12 = vector.load %arg1[%get3A_10, %get3A_11] : memref<2000x128xf32, #tpu.memory_space<vmem>>, vector<2000x128xf32>
    %get3A_13 = arith.constant 0 : index
    %get3A_14 = arith.constant 0 : index
    %get3A_15 = vector.load %arg8[%get3A_13, %get3A_14] : memref<128x2048xf32, #tpu.memory_space<vmem>>, vector<128x2048xf32>
    %dot_general3A_16 = arith.constant dense<0.000000e+00> : vector<2000x2048xf32>
    %dot_general3A_17 = tpu.matmul %get3A_12, %get3A_15, %dot_general3A_16 {dimension_numbers = #tpu.dot_dimension_numbers<[1], [0], [0], [1], [0, 0, 1, 1], [], []>, transpose_lhs_hint = false} : vector<2000x128xf32>, vector<128x2048xf32>, vector<2000x2048xf32> -> vector<2000x2048xf32>
    %mul3A = arith.mulf %dot_general3A_17, %add3A_9 : vector<2000x2048xf32>
    %get3A_18 = arith.constant 0 : index
    %get3A_19 = arith.constant 0 : index
    %get3A_20 = vector.load %arg9[%get3A_18, %get3A_19] : memref<2048x128xf32, #tpu.memory_space<vmem>>, vector<2048x128xf32>
    %dot_general3A_21 = arith.constant dense<0.000000e+00> : vector<2000x128xf32>
    %dot_general3A_22 = tpu.matmul %mul3A, %get3A_20, %dot_general3A_21 {dimension_numbers = #tpu.dot_dimension_numbers<[1], [0], [0], [1], [0, 0, 1, 1], [], []>, transpose_lhs_hint = false} : vector<2000x2048xf32>, vector<2048x128xf32>, vector<2000x128xf32> -> vector<2000x128xf32>
    %swap3A = arith.constant 0 : index
    %swap3A_23 = arith.constant 0 : index
    %swap3A_24 = vector.load %arg10[%swap3A, %swap3A_23] : memref<2000x128xf32, #tpu.memory_space<vmem>>, vector<2000x128xf32>
    tpu.vector_store %arg10[%swap3A, %swap3A_23], %dot_general3A_22 {strides = array<i32>} : memref<2000x128xf32, #tpu.memory_space<vmem>>, vector<2000x128xf32>,
    %eq3A = arith.constant 0 : i32
    %eq3A_25 = arith.cmpi eq, %arg0, %eq3A : i32
    %convert_element_type3A = arith.extui %eq3A_25 : i1 to i32
    %cond3A = arith.constant 0 : i32
    %cond3A_26 = arith.cmpi ne, %convert_element_type3A, %cond3A : i32
    scf.if %cond3A_26 {
      %get3A_27 = arith.constant 0 : index
      %get3A_28 = arith.constant 0 : index
      %get3A_29 = vector.load %arg5[%get3A_27, %get3A_28] : memref<1250x128xf32, #tpu.memory_space<vmem>>, vector<1250x128xf32>
      %get3A_30 = arith.constant 0 : index
      %get3A_31 = arith.constant 0 : index
      %get3A_32 = vector.load %arg6[%get3A_30, %get3A_31] : memref<128x128xf32, #tpu.memory_space<vmem>>, vector<128x128xf32>
      %dot_general3A_33 = arith.constant dense<0.000000e+00> : vector<1250x128xf32>
      %dot_general3A_34 = tpu.matmul %get3A_29, %get3A_32, %dot_general3A_33 {dimension_numbers = #tpu.dot_dimension_numbers<[1], [0], [0], [1], [0, 0, 1, 1], [], []>, transpose_lhs_hint = false} : vector<1250x128xf32>, vector<128x128xf32>, vector<1250x128xf32> -> vector<1250x128xf32>
      %get3A_35 = arith.constant 0 : index
      %get3A_36 = arith.constant 0 : index
      %get3A_37 = vector.load %arg7[%get3A_35, %get3A_36] : memref<1x128xf32, #tpu.memory_space<vmem>>, vector<1x128xf32>
      %add3A_38 = vector.broadcast %get3A_37 : vector<1x128xf32> to vector<1250x128xf32>
      %add3A_39 = arith.addf %dot_general3A_34, %add3A_38 : vector<1250x128xf32>
      %swap3A_40 = arith.constant 0 : index
      %swap3A_41 = arith.constant 0 : index
      %swap3A_42 = vector.load %arg11[%swap3A_40, %swap3A_41] : memref<1250x128xf32, #tpu.memory_space<vmem>>, vector<1250x128xf32>
      tpu.vector_store %arg11[%swap3A_40, %swap3A_41], %add3A_39 {strides = array<i32>} : memref<1250x128xf32, #tpu.memory_space<vmem>>, vector<1250x128xf32>,
    } else {
    }
    return
  }
  func.func @transform_0(%arg0: i32) -> (i32, i32) {
    %c0_i32 = arith.constant 0 : i32
    %c0_i32_0 = arith.constant 0 : i32
    return %arg0, %c0_i32 : i32, i32
  }
  func.func @transform_1(%arg0: i32) -> (i32, i32) {
    %c0_i32 = arith.constant 0 : i32
    %c0_i32_0 = arith.constant 0 : i32
    return %arg0, %c0_i32 : i32, i32
  }
  func.func @transform_2(%arg0: i32) -> (i32, i32) {
    %c0_i32 = arith.constant 0 : i32
    %c0_i32_0 = arith.constant 0 : i32
    %c0_i32_1 = arith.constant 0 : i32
    return %c0_i32, %c0_i32_0 : i32, i32
  }
  func.func @transform_3(%arg0: i32) -> (i32, i32) {
    %c0_i32 = arith.constant 0 : i32
    %c0_i32_0 = arith.constant 0 : i32
    %c0_i32_1 = arith.constant 0 : i32
    return %c0_i32, %c0_i32_0 : i32, i32
  }
  func.func @transform_4(%arg0: i32) -> (i32, i32) {
    %c0_i32 = arith.constant 0 : i32
    %c0_i32_0 = arith.constant 0 : i32
    %c0_i32_1 = arith.constant 0 : i32
    return %c0_i32, %c0_i32_0 : i32, i32
  }
  func.func @transform_5(%arg0: i32) -> (i32, i32) {
    %c0_i32 = arith.constant 0 : i32
    %c0_i32_0 = arith.constant 0 : i32
    %c0_i32_1 = arith.constant 0 : i32
    return %c0_i32, %c0_i32_0 : i32, i32
  }
  func.func @transform_6(%arg0: i32) -> (i32, i32) {
    %c0_i32 = arith.constant 0 : i32
    %c0_i32_0 = arith.constant 0 : i32
    %c0_i32_1 = arith.constant 0 : i32
    return %c0_i32, %c0_i32_0 : i32, i32
  }
  func.func @transform_7(%arg0: i32) -> (i32, i32) {
    %c0_i32 = arith.constant 0 : i32
    %c0_i32_0 = arith.constant 0 : i32
    %c0_i32_1 = arith.constant 0 : i32
    return %c0_i32, %c0_i32_0 : i32, i32
  }
  func.func @transform_8(%arg0: i32) -> (i32, i32) {
    %c0_i32 = arith.constant 0 : i32
    %c0_i32_0 = arith.constant 0 : i32
    %c0_i32_1 = arith.constant 0 : i32
    return %c0_i32, %c0_i32_0 : i32, i32
  }
  func.func @transform_9(%arg0: i32) -> (i32, i32) {
    %c0_i32 = arith.constant 0 : i32
    %c0_i32_0 = arith.constant 0 : i32
    return %arg0, %c0_i32 : i32, i32
  }
  func.func @transform_10(%arg0: i32) -> (i32, i32) {
    %c0_i32 = arith.constant 0 : i32
    %c0_i32_0 = arith.constant 0 : i32
    %c0_i32_1 = arith.constant 0 : i32
    return %c0_i32, %c0_i32_0 : i32, i32
  }
}

</mosaic_0001>

<sc_bundles>
// kernel: kernel.5.cloned.1.call-start
scs
__scs_entry_jumppad:
0x0: {  	(pc) =	sbr.rel $0x88, $3  }
0x1: {  	(tag) =	ssettag $0x0;
	lr =	simm.s32 $0x1  }
0x2: {  	[smem:$0x3F9A] =	sst lr;
	_ =	strace $0xD0000000  }
0x3: {  	_ = 	snop  }
0x4: {  	_ = 	snop  }
0x5: {  	_ = 	snop  }
0x6: {  	_ = 	snop  }
0x7: {  	_ = 	snop  }
__scs_overlays_trampoline_lowered:
0x8: {  	[smem:$0x3FA9] =	sst s0  }
0x9: {  	[smem:$0x3FAA] =	sst s1  }
0xa: {  	[smem:$0x3FAB] =	sst s2  }
0xb: {  	[smem:$0x3FAC] =	sst s3  }
0xc: {  	[smem:$0x3FAD] =	sst s4  }
0xd: {  	[smem:$0x3FAE] =	sst s5  }
0xe: {  	[smem:$0x3FAF] =	sst s6  }
0xf: {  	[smem:$0x3FB0] =	sst s7  }
0x10: {  	[smem:$0x3FB1] =	sst s8  }
0x11: {  	[smem:$0x3FB2] =	sst s9;
	s0 =	simm.s32 @!p0 $0x0  }
0x12: {  	s1 =	sld [smem:$0x3F98];
	s0 =	simm.s32 @p0 $0x1  }
0x13: {  	[smem:$0x3FB3] =	sst s0;
	s0 =	simm.s32 @!p1 $0x0  }
0x14: {  	s2 =	sld [smem:$0x3F97];
	s0 =	simm.s32 @p1 $0x1  }
0x15: {  	[smem:$0x3FB4] =	sst s0;
	s0 =	simm.s32 @!p2 $0x0  }
0x16: {  	s3 =	sld [smem:$0x3FDB];
	s0 =	simm.s32 @p2 $0x1  }
0x17: {  	s4 =	simm.s32 $0x1BF5;
	[smem:$0x3FB6] =	sst s0  }
0x18: {  	s0 =	sld [smem:$0x3F99];
	_ =	swait.ge [sflag:s4], $0x0  }
0x19: {  	s7 =	sld [smem:$0x3F9A]  }
0x1a: {  	s8 =	sadd.s32 $0xFFFFE003, lr  }
0x1b: {  	s9 =	sadd.s32 $0xFFFFFEF7, lr;
	s5 =	simm.s32 $0xFFFFFFFF;
	p2 =	slt.u32 s8, $0xFFFFF086  }
0x1c: {  	p1 =	slt.u32 s9, $0xF7A;
	s5 =	simm.s32 @!p2 $0x0  }
0x1d: {  	s5 =	simm.s32 @p1 $0x1;
	p0 =	seq.s32 s7, s2  }
0x1e: {  	s7 =	smul.u32 @!p0 $0xF7A, s2;
	p2 =	seq.s32 @!p0 s5, $0x0  }
0x1f: {  	s9 =	smul.u32 $0xF7A, s1;
	s8 =	simm.s32 @!p0 $0x1BF5;
	p2 =	por !p2, p0  }
0x20: {  	[sflag:s8] =	ssyncset.s32 @!p0 $0xFFFFF086;
	s6 =	sadd.s32 @!p0 s3, s7;
	s7 =	simm.s32 @!p0 $0x108  }
0x21: {  	s3 =	sadd.s32 s3, s9;
	s6 =	sadd.s32 @!p0 $0x88, s6;
	s7 =	simm.s32 @p2 $0x1082  }
0x22: {  	[simem:s7], [sflag:s8] =	dma.local @!p0 [hbm:s6], $0xF7A  }
0x23: {  	s9 =	sor.u32 $0xD0000000, s2;
	s6 =	simm.s32 $0x108;
	_ =	swait.ge @!p0 [sflag:s8], $0x0  }
0x24: {  	s3 =	sadd.s32 $0x88, s3;
	s6 =	simm.s32 @!p1 $0x1082;
	[sflag:s4] =	ssyncset.s32 $0xFFFFF086  }
0x25: {  	[simem:s6], [sflag:s4] =	dma.local [hbm:s3], $0xF7A  }
0x26: {  	[smem:$0x3F9A] =	sst s1;
	(tag) =	ssettag s2;
	_ =	strace s9  }
0x27: {  	s1 =	sld [smem:$0x3FAA]  }
0x28: {  	s2 =	sld [smem:$0x3FAB]  }
0x29: {  	s4 =	sld [smem:$0x3FAD]  }
0x2a: {  	p0 =	seq.s32 s5, $0x0;
	s5 =	sld [smem:$0x3FAE]  }
0x2b: {  	s6 =	sld [smem:$0x3FAF]  }
0x2c: {  	s7 =	sld [smem:$0x3FB0]  }
0x2d: {  	s3 =	simm.s32 $0x108;
	s8 =	sld [smem:$0x3FB1]  }
0x2e: {  	s3 =	simm.s32 @!p0 $0x1082;
	s9 =	sld [smem:$0x3FB2]  }
0x2f: {  	lr =	sadd.s32 s0, s3;
	s0 =	sld [smem:$0x3FA9]  }
0x30: {  	s3 =	sld [smem:$0x3FAC]  }
0x31: {  	[smem:$0x3FB5] =	sst s10  }
0x32: {  	s10 =	sld [smem:$0x3FB3];
	_ =	sdelay $0x3  }
0x33: {  	p0 =	seq.s32 s10, $0x1;
	s10 =	sld [smem:$0x3FB5];
	_ =	sdelay $0x3  }
0x34: {  	[smem:$0x3FB5] =	sst s10  }
0x35: {  	s10 =	sld [smem:$0x3FB4];
	_ =	sdelay $0x3  }
0x36: {  	p1 =	seq.s32 s10, $0x1;
	s10 =	sld [smem:$0x3FB5];
	_ =	sdelay $0x3  }
0x37: {  	[smem:$0x3FB5] =	sst s10  }
0x38: {  	s10 =	sld [smem:$0x3FB6]  }
0x39: {  	_ = 	snop;
	(pc) =	sbr.ind lr, $3  }
0x3a: {  	_ = 	snop  }
0x3b: {  	_ = 	snop  }
0x3c: {  	p2 =	seq.s32 s10, $0x1;
	s10 =	sld [smem:$0x3FB5]  }
0x3d: {  	_ =	shalt  }
0x3e: {  	_ =	shalt  }
0x3f: {  	_ =	shalt  }
0x40: {  	_ =	shalt  }
0x41: {  	_ =	shalt  }
0x42: {  	_ =	shalt  }
0x43: {  	_ =	shalt  }
0x44: {  	_ =	shalt  }
0x45: {  	_ =	shalt  }
0x46: {  	_ =	shalt  }
0x47: {  	_ =	shalt  }
0x48: {  	_ =	shalt  }
0x49: {  	_ =	shalt  }
0x4a: {  	_ =	shalt  }
0x4b: {  	_ =	shalt  }
0x4c: {  	_ =	shalt  }
0x4d: {  	_ =	shalt  }
0x4e: {  	_ =	shalt  }
0x4f: {  	_ =	shalt  }
0x50: {  	_ =	shalt  }
0x51: {  	_ =	shalt  }
0x52: {  	_ =	shalt  }
0x53: {  	_ =	shalt  }
0x54: {  	_ =	shalt  }
0x55: {  	_ =	shalt  }
0x56: {  	_ =	shalt  }
0x57: {  	_ =	shalt  }
0x58: {  	_ =	shalt  }
0x59: {  	_ =	shalt  }
0x5a: {  	_ =	shalt  }
0x5b: {  	_ =	shalt  }
0x5c: {  	_ =	shalt  }
0x5d: {  	_ =	shalt  }
0x5e: {  	_ =	shalt  }
0x5f: {  	_ =	shalt  }
0x60: {  	_ =	shalt  }
0x61: {  	_ =	shalt  }
0x62: {  	_ =	shalt  }
0x63: {  	_ =	shalt  }
0x64: {  	_ =	shalt  }
0x65: {  	_ =	shalt  }
0x66: {  	_ =	shalt  }
0x67: {  	_ =	shalt  }
0x68: {  	_ =	shalt  }
0x69: {  	_ =	shalt  }
0x6a: {  	_ =	shalt  }
0x6b: {  	_ =	shalt  }
0x6c: {  	_ =	shalt  }
0x6d: {  	_ =	shalt  }
0x6e: {  	_ =	shalt  }
0x6f: {  	_ =	shalt  }
0x70: {  	_ =	shalt  }
0x71: {  	_ =	shalt  }
0x72: {  	_ =	shalt  }
0x73: {  	_ =	shalt  }
0x74: {  	_ =	shalt  }
0x75: {  	_ =	shalt  }
0x76: {  	_ =	shalt  }
0x77: {  	_ =	shalt  }
0x78: {  	_ =	shalt  }
0x79: {  	_ =	shalt  }
0x7a: {  	_ =	shalt  }
0x7b: {  	_ =	shalt  }
0x7c: {  	_ =	shalt  }
0x7d: {  	_ =	shalt  }
0x7e: {  	_ =	shalt  }
0x7f: {  	_ =	shalt  }
0x80: {  	_ =	shalt  }
0x81: {  	_ =	shalt  }
0x82: {  	_ =	shalt  }
0x83: {  	_ =	shalt  }
0x84: {  	_ =	shalt  }
0x85: {  	_ =	shalt  }
0x86: {  	_ =	shalt  }
0x87: {  	_ =	shalt  }
.Lfunc_end0:
.L_simem_size_0:
called_computation_lowered:
.L_overlay_start_0:
0x88: {  	s2 =	sld [smem:$0x3FD9]  }
0x89: {  	s3 =	sld [smem:$0x3FFE];
	_ =	sdelay $0x1  }
0x8a: {  	s1 =	srdreg.scid  }
0x8b: {  	s0 =	sand.u32 $0x1, s1  }
0x8c: {  	s17 =	sshll.u32 s0, $0xA;
	s2 =	sadd.s32 s3, s2  }
0x8d: {  	s2 =	sadd.s32 s2, s17  }
0x8e: {  	[smem:$0x3FC1] =	sst s2  }
0x8f: {  	_ = 	snop  }
0x90: {  	s2 =	sld [smem:$0x3FD0];
	(tm) =	ssettm $0x1  }
0x91: {  	s18 =	sld [smem:$0x3FFB];
	_ =	sdelay $0x3  }
0x92: {  	_ =	strace s18  }
0x93: {  	s3 =	sld [smem:$0x3FFC];
	_ =	sdelay $0x3  }
0x94: {  	_ =	strace s3  }
0x95: {  	s3 =	sld [smem:$0x3FFD];
	_ =	sdelay $0x3  }
0x96: {  	_ =	strace s3  }
0x97: {  	_ =	strace $0x8FFFFFFF  }
0x98: {  	s19 =	sld [smem:$0x3FDB];
	_ =	sdelay $0x1  }
0x99: {  	s4 =	simm.s32 $_scs_section_size  }
0x9a: {  	s5 =	simm.s32 $_size__tile_overlayer_lowered;
	s6 =	simm.s32 $_tile_overlayer_lowered  }
0x9b: {  	s22 =	simm.s32 $0x1BFF;
	s21 =	sshll.u32 s6, $0x1;
	s3 =	sadd.s32 s4, s19  }
0x9c: {  	s7 =	simm.s32 $0x0;
	s20 =	sshll.u32 s5, $0x1;
	s5 =	sadd.s32 s21, s3  }
0x9d: {  	[timem:s7], [sflag:s22] =	dma.local [hbm:s5], s20  }
0x9e: {  	_ =	swait.ge [sflag:s22], s20  }
0x9f: {  	s4 =	ssub.s32 $0x0, s20;
	[sflag:s22] =	ssyncset.done $0x0  }
0xa0: {  	[sflag:s22] =	ssyncadd.s32 s4;
	_ =	sdelay $0x1  }
0xa1: {  	s23 =	simm.s32 $0x1B8B  }
0xa2: {  	_ =	swait.ge [sflag:s23], $0x1  }
0xa3: {  	[sflag:s23] =	ssyncset.done $0x0  }
0xa4: {  	s25 =	simm.s32 $0x1B8E;
	s24 =	sld [smem:$0x3FFE];
	[sflag:s23] =	ssyncadd.s32 $0xFFFFFFFF  }
0xa5: {  	s26 =	simm.s32 $execute0_lowered;
	[smem:$0x3FD2] =	sst s25  }
0xa6: {  	s5 =	sshll.u32 s26, $0x1;
	_ =	strace $0x80000046;
	[dreg:$0x1] =	wrdreg $0xFFFFFFFF  }
0xa7: {  	s28 =	simm.s32 $_size_execute0_lowered;
	s3 =	sadd.s32 s3, s5;
	[dreg:$0x0] =	wrdreg $0x0  }
0xa8: {  	s5 =	sshll.u32 s28, $0x1;
	[dreg:$0x2] =	wrdreg s3  }
0xa9: {  	[dreg:$0x3] =	wrdreg s5  }
0xaa: {  	[dreg:$0x4] =	wrdreg $0xC0  }
0xab: {  	_ =	task [dreg:s7], $0x5FFFF  }
0xac: {  	[dreg:$0x1] =	wrdreg $0xFFFFFFFF  }
0xad: {  	[dreg:$0x0] =	wrdreg $0x60  }
0xae: {  	[dreg:$0x2] =	wrdreg s2  }
0xaf: {  	[dreg:$0x3] =	wrdreg s24  }
0xb0: {  	[dreg:$0x4] =	wrdreg $0x9  }
0xb1: {  	_ =	task.clear_ibuf [dreg:s7], $0x5FFFF;
	_ =	strace $0x90000046  }
0xb2: {  	s29 =	simm.s32 $0x9;
	_ =	strace $0x80000048  }
0xb3: {  	_ =	swait.ge [sflag:s29], $0x1  }
0xb4: {  	[sflag:s29] =	ssyncadd.s32 $0xFFFFFFFF  }
0xb5: {  	_ =	strace $0x90000048  }
0xb6: {  	_ =	sfence  }
0xb7: {  	s30 =	sld [smem:$0x0];
	_ =	sdelay $0x2  }
0xb8: {  	s31 =	sshll.u32 s1, $0xD;
	s1 =	sshrl.u32 s1, $0x2  }
0xb9: {  	s3 =	sand.u32 $0x4000, s31;
	s1 =	sadd.s32 s1, s30  }
0xba: {  	s0 =	sor.u32 s3, s0;
	s1 =	sshll.u32 s1, $0x11  }
0xbb: {  	s0 =	sor.u32 s1, s0  }
0xbc: {  	s0 =	sadd.s32 $0x8F2B, s0  }
0xbd: {  	[sflag:s0] =	ssyncadd.remote.s32 $0x1  }
0xbe: {  	_ =	sfence.sel $0xFFFF  }
0xbf: {  	[dreg:$0x0] =	wrdreg $0xFFFFFFFF;
	(pc) =	sbr.abs _section_cstart, $3  }
0xc0: {  	[dreg:$0x1] =	wrdreg $0xFFFFFFFF  }
0xc1: {  	_ =	task.clear_ibuf [dreg:s7], $0x2FFFF;
	_ =	strace $0x9FFFFFFF  }
0xc2: {  	(tm) =	ssettm $0x7FFFFFFF  }
0xc3: {  	_ =	shalt  }
tec
execute0_lowered:
.L_overlay_start_1:
0x0: {  	(tag) =	ssettag $0x1  }
0x1: {  	s1 =	srdreg.scid  }
0x2: {  	s0 =	stileid.u32;
	s2 =	rddreg [dreg:$0x0]  }
0x3: {  	s5 =	rddreg [dreg:$0x1];
	s3 =	simm.s32 $0x0;
	s11 =	simm.s32 $0x64  }
0x4: {  	s12 =	simm.s32 $0x1;
	s13 =	simm.s32 $0x1450;
	s14 =	simm.s32 $0x3E8  }
0x5: {  	s15 =	simm.s32 $0x27100;
	s16 =	simm.s32 $0x14CD0;
	s17 =	simm.s32 $0x18B50  }
0x6: {  	s4 =	sand.u32 $0x1, s1;
	s31 =	sshll.u32 s0, $0x1;
	s1 =	rddreg [dreg:$0x2]  }
0x7: {  	s18 =	simm.s32 $0x0;
	[smem:$0x7FF] =	sst s3;
	s7 =	sor.u32 s4, s31  }
0x8: {  	_ =	strace $0x80000047;
	s9 =	ssub.s32 $0x2, s4;
	s6 =	smul.u32 $0x28A, s7  }
0x9: {  	s4 =	sadd.s32 $0x6C00, s5;
	s8 =	smul.u32 $0x2710, s7;
	s10 =	sshrl.u32 s9, $0x1  }
0xa: {  	s7 =	smul.u32 $0x1388, s7;
	s9 =	ssub.s32 s9, s10;
	s10 =	simm.s32 $0x2  }
0xb: {  	v0 =	vlaneseq.u32;
	s6 =	sadd.s32 s6, s5;
	s8 =	sadd.s32 s8, s5;
	s5 =	sadd.s32 $0xA3000, s5  }
0xc: {  	v0 =	vmul.u32 $0x3E8, v0;
	s9 =	smax.u32 s9, $0x1;
	s6 =	sadd.s32 $0x1A00, s6;
	s8 =	sadd.s32 $0x54E00, s8  }
.LBB2_1:
0xd: {  	[tilespmem:s3], [sflag:$0x2] =	stream.linear.gather [hbm4b:s6+s3], $0x1450, $0x38;
	[tilespmem:$0x1C9D0] =	vst v63  }
0xe: {  	_ =	swait.ge [sflag:s10], $0x1450  }
0xf: {  	[sflag:s10] =	ssyncset.done $0x0  }
0x10: {  	s19 =	simm.s32 $0x0;
	[sflag:s10] =	ssyncadd.s32 $0xFFFFEBB0  }
0x11: {  	[tilespmem:s13], [sflag:$0x1] =	stream.indirect.gather [hbm4b:s2+s11], $0x10, s19, s11, $0xb8;
	[tilespmem:$0x1C9D0] =	vst v63  }
0x12: {  	s24 =	simm.s32 $0x1A90;
	s20 =	simm.s32 $0x68  }
0x13: {  	[tilespmem:s24], [sflag:$0x1] =	stream.indirect.gather [hbm4b:s2+s11], $0x10, s20, s11, $0xb8;
	[tilespmem:$0x1C9D0] =	vst v63  }
0x14: {  	s25 =	simm.s32 $0x20D0;
	s26 =	simm.s32 $0xD0  }
0x15: {  	[tilespmem:s25], [sflag:$0x1] =	stream.indirect.gather [hbm4b:s2+s11], $0x10, s26, s11, $0xb8;
	[tilespmem:$0x1C9D0] =	vst v63  }
0x16: {  	s28 =	simm.s32 $0x2710;
	s29 =	simm.s32 $0x138  }
0x17: {  	[tilespmem:s28], [sflag:$0x1] =	stream.indirect.gather [hbm4b:s2+s11], $0x10, s29, s11, $0xb8;
	[tilespmem:$0x1C9D0] =	vst v63  }
0x18: {  	s30 =	simm.s32 $0x2D50;
	s31 =	simm.s32 $0x1A0  }
0x19: {  	[tilespmem:s30], [sflag:$0x1] =	stream.indirect.gather [hbm4b:s2+s11], $0x10, s31, s11, $0xb8;
	[tilespmem:$0x1C9D0] =	vst v63  }
0x1a: {  	s21 =	simm.s32 $0x3390;
	s22 =	simm.s32 $0x208  }
0x1b: {  	[tilespmem:s21], [sflag:$0x1] =	stream.indirect.gather [hbm4b:s2+s11], $0x10, s22, s11, $0xb8;
	[tilespmem:$0x1C9D0] =	vst v63  }
0x1c: {  	s23 =	simm.s32 $0x39D0;
	s24 =	simm.s32 $0x270  }
0x1d: {  	[tilespmem:s23], [sflag:$0x1] =	stream.indirect.gather [hbm4b:s2+s11], $0x10, s24, s11, $0xb8;
	[tilespmem:$0x1C9D0] =	vst v63  }
0x1e: {  	s25 =	simm.s32 $0x4010;
	s26 =	simm.s32 $0x2D8  }
0x1f: {  	[tilespmem:s25], [sflag:$0x1] =	stream.indirect.gather [hbm4b:s2+s11], $0x10, s26, s11, $0xb8;
	[tilespmem:$0x1C9D0] =	vst v63  }
0x20: {  	s28 =	simm.s32 $0x4650;
	s29 =	simm.s32 $0x340  }
0x21: {  	[tilespmem:s28], [sflag:$0x1] =	stream.indirect.gather [hbm4b:s2+s11], $0x10, s29, s11, $0xb8;
	[tilespmem:$0x1C9D0] =	vst v63  }
0x22: {  	s30 =	simm.s32 $0x4C90;
	s31 =	simm.s32 $0x3A8  }
0x23: {  	[tilespmem:s30], [sflag:$0x1] =	stream.indirect.gather [hbm4b:s2+s11], $0x10, s31, s11, $0xb8;
	[tilespmem:$0x1C9D0] =	vst v63  }
0x24: {  	_ =	swait.ge [sflag:s12], $0x640  }
0x25: {  	[sflag:s12] =	ssyncset.done $0x0  }
0x26: {  	[sflag:s12] =	ssyncadd.s32 $0xFFFFF9C0  }
0x27: {  	_ =	swait.ge [sflag:s12], $0x640  }
0x28: {  	[sflag:s12] =	ssyncset.done $0x0  }
0x29: {  	[sflag:s12] =	ssyncadd.s32 $0xFFFFF9C0  }
0x2a: {  	_ =	swait.ge [sflag:s12], $0x640  }
0x2b: {  	[sflag:s12] =	ssyncset.done $0x0  }
0x2c: {  	[sflag:s12] =	ssyncadd.s32 $0xFFFFF9C0  }
0x2d: {  	_ =	swait.ge [sflag:s12], $0x640  }
0x2e: {  	[sflag:s12] =	ssyncset.done $0x0  }
0x2f: {  	[sflag:s12] =	ssyncadd.s32 $0xFFFFF9C0  }
0x30: {  	_ =	swait.ge [sflag:s12], $0x640  }
0x31: {  	[sflag:s12] =	ssyncset.done $0x0  }
0x32: {  	[sflag:s12] =	ssyncadd.s32 $0xFFFFF9C0  }
0x33: {  	_ =	swait.ge [sflag:s12], $0x640  }
0x34: {  	[sflag:s12] =	ssyncset.done $0x0  }
0x35: {  	[sflag:s12] =	ssyncadd.s32 $0xFFFFF9C0  }
0x36: {  	_ =	swait.ge [sflag:s12], $0x640  }
0x37: {  	[sflag:s12] =	ssyncset.done $0x0  }
0x38: {  	[sflag:s12] =	ssyncadd.s32 $0xFFFFF9C0  }
0x39: {  	_ =	swait.ge [sflag:s12], $0x640  }
0x3a: {  	[sflag:s12] =	ssyncset.done $0x0  }
0x3b: {  	[sflag:s12] =	ssyncadd.s32 $0xFFFFF9C0  }
0x3c: {  	_ =	swait.ge [sflag:s12], $0x640  }
0x3d: {  	[sflag:s12] =	ssyncset.done $0x0  }
0x3e: {  	[sflag:s12] =	ssyncadd.s32 $0xFFFFF9C0  }
0x3f: {  	s19 =	simm.s32 $0x52D0;
	_ =	swait.ge [sflag:s12], $0x640  }
0x40: {  	s20 =	simm.s32 $0x1040;
	s22 =	simm.s32 $0x2080;
	[sflag:s12] =	ssyncset.done $0x0  }
.LBB2_2:
0x41: {  	s23 =	sshra.s32 s20, $0x2  }
0x42: {  	[sflag:s12] =	ssyncadd.s32 $0xFFFFF9C0;
	s20 =	smov.u32 s22;
	s21 =	sadd.s32 $0x1040, s22  }
0x43: {  	[tilespmem:s19], [sflag:$0x1] =	stream.indirect.gather [hbm4b:s2+s11], $0x10, s23, s11, $0xb8;
	[tilespmem:$0x1C9D0] =	vst v63  }
0x44: {  	p0 =	sne.s32 s22, $0x4100;
	s22 =	sadd.s32 $0x640, s19;
	s24 =	sadd.s32 $0x68, s23  }
0x45: {  	[tilespmem:s22], [sflag:$0x1] =	stream.indirect.gather [hbm4b:s2+s11], $0x10, s24, s11, $0xb8;
	[tilespmem:$0x1C9D0] =	vst v63  }
0x46: {  	s22 =	sadd.s32 $0xC80, s19;
	s24 =	sadd.s32 $0xD0, s23  }
0x47: {  	[tilespmem:s22], [sflag:$0x1] =	stream.indirect.gather [hbm4b:s2+s11], $0x10, s24, s11, $0xb8;
	[tilespmem:$0x1C9D0] =	vst v63  }
0x48: {  	s22 =	sadd.s32 $0x12C0, s19;
	s24 =	sadd.s32 $0x138, s23  }
0x49: {  	[tilespmem:s22], [sflag:$0x1] =	stream.indirect.gather [hbm4b:s2+s11], $0x10, s24, s11, $0xb8;
	[tilespmem:$0x1C9D0] =	vst v63  }
0x4a: {  	s22 =	sadd.s32 $0x1900, s19;
	s24 =	sadd.s32 $0x1A0, s23  }
0x4b: {  	[tilespmem:s22], [sflag:$0x1] =	stream.indirect.gather [hbm4b:s2+s11], $0x10, s24, s11, $0xb8;
	[tilespmem:$0x1C9D0] =	vst v63  }
0x4c: {  	s22 =	sadd.s32 $0x1F40, s19;
	s24 =	sadd.s32 $0x208, s23  }
0x4d: {  	[tilespmem:s22], [sflag:$0x1] =	stream.indirect.gather [hbm4b:s2+s11], $0x10, s24, s11, $0xb8;
	[tilespmem:$0x1C9D0] =	vst v63  }
0x4e: {  	s22 =	sadd.s32 $0x2580, s19;
	s24 =	sadd.s32 $0x270, s23  }
0x4f: {  	[tilespmem:s22], [sflag:$0x1] =	stream.indirect.gather [hbm4b:s2+s11], $0x10, s24, s11, $0xb8;
	[tilespmem:$0x1C9D0] =	vst v63  }
0x50: {  	s22 =	sadd.s32 $0x2BC0, s19;
	s24 =	sadd.s32 $0x2D8, s23  }
0x51: {  	[tilespmem:s22], [sflag:$0x1] =	stream.indirect.gather [hbm4b:s2+s11], $0x10, s24, s11, $0xb8;
	[tilespmem:$0x1C9D0] =	vst v63  }
0x52: {  	s22 =	sadd.s32 $0x3200, s19;
	s24 =	sadd.s32 $0x340, s23  }
0x53: {  	[tilespmem:s22], [sflag:$0x1] =	stream.indirect.gather [hbm4b:s2+s11], $0x10, s24, s11, $0xb8;
	[tilespmem:$0x1C9D0] =	vst v63  }
0x54: {  	s23 =	sadd.s32 $0x3A8, s23;
	s22 =	sadd.s32 $0x3840, s19  }
0x55: {  	[tilespmem:s22], [sflag:$0x1] =	stream.indirect.gather [hbm4b:s2+s11], $0x10, s23, s11, $0xb8;
	[tilespmem:$0x1C9D0] =	vst v63  }
0x56: {  	_ =	swait.ge [sflag:s12], $0x640  }
0x57: {  	[sflag:s12] =	ssyncset.done $0x0  }
0x58: {  	[sflag:s12] =	ssyncadd.s32 $0xFFFFF9C0  }
0x59: {  	_ =	swait.ge [sflag:s12], $0x640  }
0x5a: {  	[sflag:s12] =	ssyncset.done $0x0  }
0x5b: {  	[sflag:s12] =	ssyncadd.s32 $0xFFFFF9C0  }
0x5c: {  	_ =	swait.ge [sflag:s12], $0x640  }
0x5d: {  	[sflag:s12] =	ssyncset.done $0x0  }
0x5e: {  	[sflag:s12] =	ssyncadd.s32 $0xFFFFF9C0  }
0x5f: {  	_ =	swait.ge [sflag:s12], $0x640  }
0x60: {  	[sflag:s12] =	ssyncset.done $0x0  }
0x61: {  	[sflag:s12] =	ssyncadd.s32 $0xFFFFF9C0  }
0x62: {  	_ =	swait.ge [sflag:s12], $0x640  }
0x63: {  	[sflag:s12] =	ssyncset.done $0x0  }
0x64: {  	[sflag:s12] =	ssyncadd.s32 $0xFFFFF9C0  }
0x65: {  	_ =	swait.ge [sflag:s12], $0x640  }
0x66: {  	[sflag:s12] =	ssyncset.done $0x0  }
0x67: {  	[sflag:s12] =	ssyncadd.s32 $0xFFFFF9C0  }
0x68: {  	_ =	swait.ge [sflag:s12], $0x640  }
0x69: {  	[sflag:s12] =	ssyncset.done $0x0  }
0x6a: {  	[sflag:s12] =	ssyncadd.s32 $0xFFFFF9C0  }
0x6b: {  	_ =	swait.ge [sflag:s12], $0x640  }
0x6c: {  	[sflag:s12] =	ssyncset.done $0x0  }
0x6d: {  	[sflag:s12] =	ssyncadd.s32 $0xFFFFF9C0  }
.Ltmp0:
0x6e: {  	_ =	swait.ge [sflag:s12], $0x640;
	(pc) =	sbr.rel @p0 .LBB2_2-.Ltmp0, $4  }
0x6f: {  	[sflag:s12] =	ssyncset.done $0x0  }
0x70: {  	[sflag:s12] =	ssyncadd.s32 $0xFFFFF9C0  }
0x71: {  	_ =	swait.ge [sflag:s12], $0x640  }
0x72: {  	s19 =	sadd.s32 $0x3E80, s19;
	s22 =	smov.u32 s21;
	[sflag:s12] =	ssyncset.done $0x0  }
0x73: {  	s20 =	sshra.s32 s20, $0x2;
	[sflag:s12] =	ssyncadd.s32 $0xFFFFF9C0  }
0x74: {  	[tilespmem:s19], [sflag:$0x1] =	stream.indirect.gather [hbm4b:s2+s11], $0x10, s20, s11, $0xb8;
	[tilespmem:$0x1C9D0] =	vst v63  }
0x75: {  	s21 =	sadd.s32 $0x640, s19;
	s22 =	sadd.s32 $0x68, s20  }
0x76: {  	[tilespmem:s21], [sflag:$0x1] =	stream.indirect.gather [hbm4b:s2+s11], $0x10, s22, s11, $0xb8;
	[tilespmem:$0x1C9D0] =	vst v63  }
0x77: {  	s25 =	sadd.s32 $0xC80, s19;
	s26 =	sadd.s32 $0xD0, s20  }
0x78: {  	[tilespmem:s25], [sflag:$0x1] =	stream.indirect.gather [hbm4b:s2+s11], $0x10, s26, s11, $0xb8;
	[tilespmem:$0x1C9D0] =	vst v63  }
0x79: {  	s28 =	sadd.s32 $0x12C0, s19;
	s29 =	sadd.s32 $0x138, s20  }
0x7a: {  	[tilespmem:s28], [sflag:$0x1] =	stream.indirect.gather [hbm4b:s2+s11], $0x10, s29, s11, $0xb8;
	[tilespmem:$0x1C9D0] =	vst v63  }
0x7b: {  	s30 =	sadd.s32 $0x1900, s19;
	s31 =	sadd.s32 $0x1A0, s20  }
0x7c: {  	[tilespmem:s30], [sflag:$0x1] =	stream.indirect.gather [hbm4b:s2+s11], $0x10, s31, s11, $0xb8;
	[tilespmem:$0x1C9D0] =	vst v63  }
0x7d: {  	s23 =	sadd.s32 $0x208, s20;
	s22 =	sadd.s32 $0x1F40, s19  }
0x7e: {  	[tilespmem:s22], [sflag:$0x1] =	stream.indirect.gather [hbm4b:s2+s11], $0x10, s23, s11, $0xb8;
	[tilespmem:$0x1C9D0] =	vst v63  }
0x7f: {  	s24 =	sadd.s32 $0x2580, s19;
	s25 =	sadd.s32 $0x270, s20  }
0x80: {  	[tilespmem:s24], [sflag:$0x1] =	stream.indirect.gather [hbm4b:s2+s11], $0x10, s25, s11, $0xb8;
	[tilespmem:$0x1C9D0] =	vst v63  }
0x81: {  	s26 =	sadd.s32 $0x2BC0, s19;
	s28 =	sadd.s32 $0x2D8, s20  }
0x82: {  	[tilespmem:s26], [sflag:$0x1] =	stream.indirect.gather [hbm4b:s2+s11], $0x10, s28, s11, $0xb8;
	[tilespmem:$0x1C9D0] =	vst v63  }
0x83: {  	s29 =	sadd.s32 $0x3200, s19;
	s30 =	sadd.s32 $0x340, s20  }
0x84: {  	[tilespmem:s29], [sflag:$0x1] =	stream.indirect.gather [hbm4b:s2+s11], $0x10, s30, s11, $0xb8;
	[tilespmem:$0x1C9D0] =	vst v63  }
0x85: {  	s31 =	sadd.s32 $0x3840, s19;
	s20 =	sadd.s32 $0x3A8, s20  }
0x86: {  	[tilespmem:s31], [sflag:$0x1] =	stream.indirect.gather [hbm4b:s2+s11], $0x10, s20, s11, $0xb8;
	[tilespmem:$0x1C9D0] =	vst v63  }
0x87: {  	_ =	swait.ge [sflag:s12], $0x640  }
0x88: {  	[sflag:s12] =	ssyncset.done $0x0  }
0x89: {  	[sflag:s12] =	ssyncadd.s32 $0xFFFFF9C0  }
0x8a: {  	_ =	swait.ge [sflag:s12], $0x640  }
0x8b: {  	[sflag:s12] =	ssyncset.done $0x0  }
0x8c: {  	[sflag:s12] =	ssyncadd.s32 $0xFFFFF9C0  }
0x8d: {  	_ =	swait.ge [sflag:s12], $0x640  }
0x8e: {  	[sflag:s12] =	ssyncset.done $0x0  }
0x8f: {  	[sflag:s12] =	ssyncadd.s32 $0xFFFFF9C0  }
0x90: {  	_ =	swait.ge [sflag:s12], $0x640  }
0x91: {  	[sflag:s12] =	ssyncset.done $0x0  }
0x92: {  	[sflag:s12] =	ssyncadd.s32 $0xFFFFF9C0  }
0x93: {  	_ =	swait.ge [sflag:s12], $0x640  }
0x94: {  	[sflag:s12] =	ssyncset.done $0x0  }
0x95: {  	[sflag:s12] =	ssyncadd.s32 $0xFFFFF9C0  }
0x96: {  	_ =	swait.ge [sflag:s12], $0x640  }
0x97: {  	[sflag:s12] =	ssyncset.done $0x0  }
0x98: {  	[sflag:s12] =	ssyncadd.s32 $0xFFFFF9C0  }
0x99: {  	_ =	swait.ge [sflag:s12], $0x640  }
0x9a: {  	[sflag:s12] =	ssyncset.done $0x0  }
0x9b: {  	[sflag:s12] =	ssyncadd.s32 $0xFFFFF9C0  }
0x9c: {  	_ =	swait.ge [sflag:s12], $0x640  }
0x9d: {  	[sflag:s12] =	ssyncset.done $0x0  }
0x9e: {  	[sflag:s12] =	ssyncadd.s32 $0xFFFFF9C0  }
0x9f: {  	_ =	swait.ge [sflag:s12], $0x640  }
0xa0: {  	[sflag:s12] =	ssyncset.done $0x0  }
0xa1: {  	[sflag:s12] =	ssyncadd.s32 $0xFFFFF9C0  }
0xa2: {  	_ =	swait.ge [sflag:s12], $0x640  }
0xa3: {  	[sflag:s12] =	ssyncset.done $0x0  }
0xa4: {  	s19 =	simm.s32 $0x0;
	[sflag:s12] =	ssyncadd.s32 $0xFFFFF9C0  }
0xa5: {  	[hbm4b:s8+s19] =	stream.linear.scatter [tilespmem:s13], [sflag:$0x2], $0x13880, $0x38;
	[tilespmem:$0x1C9D0] =	vst v63  }
0xa6: {  	_ =	swait.ge [sflag:s10], $0x13880  }
0xa7: {  	[sflag:s10] =	ssyncset.done $0x0  }
0xa8: {  	s20 =	simm.s32 $0x0;
	[sflag:s10] =	ssyncadd.s32 $0xFFFEC780  }
.LBB2_4:
0xa9: {  	s21 =	smul.u32 $0x3E8, s20;
	_ =	sdelay $0x1  }
0xaa: {  	v1 =	vmov s19;
	s21 =	sadd.s32 s7, s21  }
0xab: {  	v1 =	vand.u32 $0x3FC, v1;
	s22 =	sshrl.u32 s21, $0x3  }
0xac: {  	v1 =	vadd.s32 v0, v1;
	s22 =	sadd.s32 s4, s22  }
0xad: {  	[tilespmem:s16], [sflag:$0x2] =	stream.strided.gather [hbm4b:s22+s14], $0x3E80, s15, s14, $0x38;
	[tilespmem:$0x1C9D0] =	vst v63  }
0xae: {  	_ =	swait.ge [sflag:s10], $0x3E80  }
0xaf: {  	s30 =	simm.s32 $0x1;
	[sflag:s10] =	ssyncset.done $0x0  }
0xb0: {  	v2 =	vmov s30;
	[sflag:s10] =	ssyncadd.s32 $0xFFFFC180  }
0xb1: {  	v2 =	vand.u32 $0x3FD, v2;
	v1 =	vld.idx.msk [tilespmem:v1+s16+$0x0], $0xffff  }
0xb2: {  	v2 =	vadd.s32 v0, v2;
	_ =	sdelay $0x2  }
0xb3: {  	s23 =	simm.s32 $0x2;
	s22 =	simm.s32 $0x18B70  }
0xb4: {  	[tilespmem:s22+$0xFFFFFFE0] =	vst v1;
	v1 =	vmov s23  }
0xb5: {  	v2 =	vld.idx.msk [tilespmem:v2+s16+$0x0], $0xffff;
	v1 =	vand.u32 $0x3FE, v1  }
0xb6: {  	v1 =	vadd.s32 v0, v1;
	_ =	sdelay $0x2  }
0xb7: {  	s31 =	simm.s32 $0x3  }
0xb8: {  	[tilespmem:s22+$0xFFFFFFF0] =	vst v2;
	v2 =	vmov s31  }
0xb9: {  	v1 =	vld.idx.msk [tilespmem:v1+s16+$0x0], $0xffff;
	v2 =	vand.u32 $0x3FF, v2  }
0xba: {  	v3 =	vadd.s32 v0, v2;
	_ =	sdelay $0x3  }
0xbb: {  	s23 =	simm.s32 $0x4;
	[tilespmem:s22+$0x0] =	vst v1  }
0xbc: {  	s24 =	simm.s32 $0x8;
	v2 =	vmov s23;
	v1 =	vld.idx.msk [tilespmem:v3+s16+$0x0], $0xffff  }
.LBB2_5:
0xbd: {  	p0 =	slt.u32 s24, $0x3E4;
	v2 =	vand.u32 $0x3FC, v2  }
0xbe: {  	v2 =	vadd.s32 v0, v2;
	_ =	sdelay $0x3  }
0xbf: {  	s25 =	sadd.s32 $0x1, s23;
	[tilespmem:s22+$0x10] =	vst v1  }
0xc0: {  	v1 =	vld.idx.msk [tilespmem:v2+s16+$0x0], $0xffff;
	v2 =	vmov s25  }
0xc1: {  	v2 =	vand.u32 $0x3FD, v2  }
0xc2: {  	v2 =	vadd.s32 v0, v2;
	_ =	sdelay $0x2  }
0xc3: {  	s22 =	sadd.s32 $0x40, s22  }
0xc4: {  	s25 =	sadd.s32 $0x2, s23;
	[tilespmem:s22+$0xFFFFFFE0] =	vst v1  }
0xc5: {  	v1 =	vld.idx.msk [tilespmem:v2+s16+$0x0], $0xffff;
	v2 =	vmov s25  }
0xc6: {  	v2 =	vand.u32 $0x3FE, v2  }
0xc7: {  	v2 =	vadd.s32 v0, v2;
	_ =	sdelay $0x3  }
0xc8: {  	s25 =	sadd.s32 $0x3, s23;
	s23 =	smov.u32 s24;
	[tilespmem:s22+$0xFFFFFFF0] =	vst v1  }
0xc9: {  	v1 =	vld.idx.msk [tilespmem:v2+s16+$0x0], $0xffff;
	v2 =	vmov s25  }
0xca: {  	v2 =	vand.u32 $0x3FF, v2  }
0xcb: {  	v3 =	vadd.s32 v0, v2  }
.Ltmp1:
0xcc: {  	(pc) =	sbr.rel @p0 .LBB2_5-.Ltmp1, $3  }
0xcd: {  	_ =	sdelay $0x1  }
0xce: {  	[tilespmem:s22+$0x0] =	vst v1  }
0xcf: {  	s24 =	sadd.s32 $0x4, s24;
	v2 =	vmov s23;
	v1 =	vld.idx.msk [tilespmem:v3+s16+$0x0], $0xffff  }
0xd0: {  	v2 =	vand.u32 $0x3FC, v2  }
0xd1: {  	v2 =	vadd.s32 v0, v2;
	_ =	sdelay $0x2  }
0xd2: {  	s24 =	sadd.s32 $0x1, s23  }
0xd3: {  	[tilespmem:s22+$0x10] =	vst v1;
	v1 =	vmov s24  }
0xd4: {  	v1 =	vand.u32 $0x3FD, v1;
	v2 =	vld.idx.msk [tilespmem:v2+s16+$0x0], $0xffff  }
0xd5: {  	v1 =	vadd.s32 v0, v1;
	_ =	sdelay $0x2  }
0xd6: {  	s29 =	sadd.s32 $0x40, s22;
	s30 =	sadd.s32 $0x2, s23  }
0xd7: {  	[tilespmem:s29+$0xFFFFFFE0] =	vst v2;
	v2 =	vmov s30  }
0xd8: {  	v1 =	vld.idx.msk [tilespmem:v1+s16+$0x0], $0xffff;
	v2 =	vand.u32 $0x3FE, v2  }
0xd9: {  	v2 =	vadd.s32 v0, v2;
	_ =	sdelay $0x2  }
0xda: {  	s31 =	sadd.s32 $0x3, s23  }
0xdb: {  	[tilespmem:s29+$0xFFFFFFF0] =	vst v1;
	v1 =	vmov s31  }
0xdc: {  	v2 =	vld.idx.msk [tilespmem:v2+s16+$0x0], $0xffff;
	v1 =	vand.u32 $0x3FF, v1  }
0xdd: {  	v1 =	vadd.s32 v0, v1;
	_ =	sdelay $0x3  }
0xde: {  	[tilespmem:s29+$0x0] =	vst v2  }
0xdf: {  	v1 =	vld.idx.msk [tilespmem:v1+s16+$0x0], $0xffff;
	_ =	sdelay $0x2  }
0xe0: {  	s20 =	sadd.s32 $0x1, s20  }
0xe1: {  	s21 =	sshll.u32 s21, $0x1;
	p0 =	sne.s32 s20, $0x5  }
.Ltmp2:
0xe2: {  	s21 =	sadd.s32 s5, s21;
	[tilespmem:s29+$0x10] =	vst v1;
	(pc) =	sbr.rel @p0 .LBB2_4-.Ltmp2, $4  }
0xe3: {  	[hbm4b:s21+s3] =	stream.linear.scatter [tilespmem:s17], [sflag:$0x2], $0x3E80, $0x38;
	[tilespmem:$0x1C9D0] =	vst v63  }
0xe4: {  	_ =	swait.ge [sflag:s10], $0x3E80  }
0xe5: {  	[sflag:s10] =	ssyncset.done $0x0  }
0xe6: {  	[sflag:s10] =	ssyncadd.s32 $0xFFFFC180  }
0xe7: {  	s18 =	sadd.s32 $0x1, s18  }
0xe8: {  	p0 =	sne.s32 s18, s9  }
.Ltmp3:
0xe9: {  	_ = 	snop;
	(pc) =	sbr.rel @p0 .LBB2_1-.Ltmp3, $1  }
0xea: {  	_ =	sdelay $0x3  }
0xeb: {  	_ =	sfence.sel $0x180000  }
0xec: {  	[bflag:$0x0] =	sbarrier.arrive $0xFFFF  }
0xed: {  	p0 =	sne.s32 s0, $0x0;
	_ =	strace $0x90000047  }
0xee: {  	s0 =	sadd.s32 @!p0 $0x100000, s1;
	[bflag:$0x2] =	sbarrier.arrive $0xFFFF  }
0xef: {  	[sflag:s0] =	ssyncadd.tile.s32 @!p0 $0x1;
	_ =	shalt  }
.Lfunc_end2:
_tile_overlayer_lowered:
.L_overlay_start_2:
0xf0: {  	(tag) =	ssettag $0x2  }
0xf1: {  	s0 =	rddreg [dreg:$0x0];
	s2 =	stileid.u32  }
0xf2: {  	s1 =	rddreg [dreg:$0x1];
	p0 =	sne.s32 s2, $0x0  }
0xf3: {  	s3 =	rddreg [dreg:$0x2];
	[bflag:$0x3] =	sbarrier.arrive $0xFFFF;
	s2 =	simm.s32 @!p0 $0x1C02  }
0xf4: {  	[timem:s3], [sflag:s2] =	dma.local @!p0 [hbm:s0], s1  }
0xf5: {  	s0 =	simm.s32 @!p0 $0x2  }
0xf6: {  	_ =	swait.ge @!p0 [sflag:s0], s1  }
0xf7: {  	s1 =	ssub.s32 @!p0 $0x0, s1;
	[sflag:s0] =	ssyncset.done @!p0 $0x0  }
0xf8: {  	[sflag:s0] =	ssyncadd.s32 @!p0 s1  }
0xf9: {  	[bflag:$0x3] =	sbarrier.arrive $0xFFFF  }
0xfa: {  	_ =	shalt  }

// kernel: kernel.8.cloned.1.call-start
scs
__scs_entry_jumppad:
0x0: {  	(pc) =	sbr.rel $0x88, $3  }
0x1: {  	(tag) =	ssettag $0x0;
	lr =	simm.s32 $0x1  }
0x2: {  	[smem:$0x3F9A] =	sst lr;
	_ =	strace $0xD0000000  }
0x3: {  	_ = 	snop  }
0x4: {  	_ = 	snop  }
0x5: {  	_ = 	snop  }
0x6: {  	_ = 	snop  }
0x7: {  	_ = 	snop  }
__scs_overlays_trampoline_lowered:
0x8: {  	[smem:$0x3FA9] =	sst s0  }
0x9: {  	[smem:$0x3FAA] =	sst s1  }
0xa: {  	[smem:$0x3FAB] =	sst s2  }
0xb: {  	[smem:$0x3FAC] =	sst s3  }
0xc: {  	[smem:$0x3FAD] =	sst s4  }
0xd: {  	[smem:$0x3FAE] =	sst s5  }
0xe: {  	[smem:$0x3FAF] =	sst s6  }
0xf: {  	[smem:$0x3FB0] =	sst s7  }
0x10: {  	[smem:$0x3FB1] =	sst s8  }
0x11: {  	[smem:$0x3FB2] =	sst s9;
	s0 =	simm.s32 @!p0 $0x0  }
0x12: {  	s1 =	sld [smem:$0x3F98];
	s0 =	simm.s32 @p0 $0x1  }
0x13: {  	[smem:$0x3FB3] =	sst s0;
	s0 =	simm.s32 @!p1 $0x0  }
0x14: {  	s2 =	sld [smem:$0x3F97];
	s0 =	simm.s32 @p1 $0x1  }
0x15: {  	[smem:$0x3FB4] =	sst s0;
	s0 =	simm.s32 @!p2 $0x0  }
0x16: {  	s3 =	sld [smem:$0x3FDB];
	s0 =	simm.s32 @p2 $0x1  }
0x17: {  	s4 =	simm.s32 $0x1BF5;
	[smem:$0x3FB6] =	sst s0  }
0x18: {  	s0 =	sld [smem:$0x3F99];
	_ =	swait.ge [sflag:s4], $0x0  }
0x19: {  	s7 =	sld [smem:$0x3F9A]  }
0x1a: {  	s8 =	sadd.s32 $0xFFFFE003, lr  }
0x1b: {  	s9 =	sadd.s32 $0xFFFFFEF7, lr;
	s5 =	simm.s32 $0xFFFFFFFF;
	p2 =	slt.u32 s8, $0xFFFFF086  }
0x1c: {  	p1 =	slt.u32 s9, $0xF7A;
	s5 =	simm.s32 @!p2 $0x0  }
0x1d: {  	s5 =	simm.s32 @p1 $0x1;
	p0 =	seq.s32 s7, s2  }
0x1e: {  	s7 =	smul.u32 @!p0 $0xF7A, s2;
	p2 =	seq.s32 @!p0 s5, $0x0  }
0x1f: {  	s9 =	smul.u32 $0xF7A, s1;
	s8 =	simm.s32 @!p0 $0x1BF5;
	p2 =	por !p2, p0  }
0x20: {  	[sflag:s8] =	ssyncset.s32 @!p0 $0xFFFFF086;
	s6 =	sadd.s32 @!p0 s3, s7;
	s7 =	simm.s32 @!p0 $0x108  }
0x21: {  	s3 =	sadd.s32 s3, s9;
	s6 =	sadd.s32 @!p0 $0x88, s6;
	s7 =	simm.s32 @p2 $0x1082  }
0x22: {  	[simem:s7], [sflag:s8] =	dma.local @!p0 [hbm:s6], $0xF7A  }
0x23: {  	s9 =	sor.u32 $0xD0000000, s2;
	s6 =	simm.s32 $0x108;
	_ =	swait.ge @!p0 [sflag:s8], $0x0  }
0x24: {  	s3 =	sadd.s32 $0x88, s3;
	s6 =	simm.s32 @!p1 $0x1082;
	[sflag:s4] =	ssyncset.s32 $0xFFFFF086  }
0x25: {  	[simem:s6], [sflag:s4] =	dma.local [hbm:s3], $0xF7A  }
0x26: {  	[smem:$0x3F9A] =	sst s1;
	(tag) =	ssettag s2;
	_ =	strace s9  }
0x27: {  	s1 =	sld [smem:$0x3FAA]  }
0x28: {  	s2 =	sld [smem:$0x3FAB]  }
0x29: {  	s4 =	sld [smem:$0x3FAD]  }
0x2a: {  	p0 =	seq.s32 s5, $0x0;
	s5 =	sld [smem:$0x3FAE]  }
0x2b: {  	s6 =	sld [smem:$0x3FAF]  }
0x2c: {  	s7 =	sld [smem:$0x3FB0]  }
0x2d: {  	s3 =	simm.s32 $0x108;
	s8 =	sld [smem:$0x3FB1]  }
0x2e: {  	s3 =	simm.s32 @!p0 $0x1082;
	s9 =	sld [smem:$0x3FB2]  }
0x2f: {  	lr =	sadd.s32 s0, s3;
	s0 =	sld [smem:$0x3FA9]  }
0x30: {  	s3 =	sld [smem:$0x3FAC]  }
0x31: {  	[smem:$0x3FB5] =	sst s10  }
0x32: {  	s10 =	sld [smem:$0x3FB3];
	_ =	sdelay $0x3  }
0x33: {  	p0 =	seq.s32 s10, $0x1;
	s10 =	sld [smem:$0x3FB5];
	_ =	sdelay $0x3  }
0x34: {  	[smem:$0x3FB5] =	sst s10  }
0x35: {  	s10 =	sld [smem:$0x3FB4];
	_ =	sdelay $0x3  }
0x36: {  	p1 =	seq.s32 s10, $0x1;
	s10 =	sld [smem:$0x3FB5];
	_ =	sdelay $0x3  }
0x37: {  	[smem:$0x3FB5] =	sst s10  }
0x38: {  	s10 =	sld [smem:$0x3FB6]  }
0x39: {  	_ = 	snop;
	(pc) =	sbr.ind lr, $3  }
0x3a: {  	_ = 	snop  }
0x3b: {  	_ = 	snop  }
0x3c: {  	p2 =	seq.s32 s10, $0x1;
	s10 =	sld [smem:$0x3FB5]  }
0x3d: {  	_ =	shalt  }
0x3e: {  	_ =	shalt  }
0x3f: {  	_ =	shalt  }
0x40: {  	_ =	shalt  }
0x41: {  	_ =	shalt  }
0x42: {  	_ =	shalt  }
0x43: {  	_ =	shalt  }
0x44: {  	_ =	shalt  }
0x45: {  	_ =	shalt  }
0x46: {  	_ =	shalt  }
0x47: {  	_ =	shalt  }
0x48: {  	_ =	shalt  }
0x49: {  	_ =	shalt  }
0x4a: {  	_ =	shalt  }
0x4b: {  	_ =	shalt  }
0x4c: {  	_ =	shalt  }
0x4d: {  	_ =	shalt  }
0x4e: {  	_ =	shalt  }
0x4f: {  	_ =	shalt  }
0x50: {  	_ =	shalt  }
0x51: {  	_ =	shalt  }
0x52: {  	_ =	shalt  }
0x53: {  	_ =	shalt  }
0x54: {  	_ =	shalt  }
0x55: {  	_ =	shalt  }
0x56: {  	_ =	shalt  }
0x57: {  	_ =	shalt  }
0x58: {  	_ =	shalt  }
0x59: {  	_ =	shalt  }
0x5a: {  	_ =	shalt  }
0x5b: {  	_ =	shalt  }
0x5c: {  	_ =	shalt  }
0x5d: {  	_ =	shalt  }
0x5e: {  	_ =	shalt  }
0x5f: {  	_ =	shalt  }
0x60: {  	_ =	shalt  }
0x61: {  	_ =	shalt  }
0x62: {  	_ =	shalt  }
0x63: {  	_ =	shalt  }
0x64: {  	_ =	shalt  }
0x65: {  	_ =	shalt  }
0x66: {  	_ =	shalt  }
0x67: {  	_ =	shalt  }
0x68: {  	_ =	shalt  }
0x69: {  	_ =	shalt  }
0x6a: {  	_ =	shalt  }
0x6b: {  	_ =	shalt  }
0x6c: {  	_ =	shalt  }
0x6d: {  	_ =	shalt  }
0x6e: {  	_ =	shalt  }
0x6f: {  	_ =	shalt  }
0x70: {  	_ =	shalt  }
0x71: {  	_ =	shalt  }
0x72: {  	_ =	shalt  }
0x73: {  	_ =	shalt  }
0x74: {  	_ =	shalt  }
0x75: {  	_ =	shalt  }
0x76: {  	_ =	shalt  }
0x77: {  	_ =	shalt  }
0x78: {  	_ =	shalt  }
0x79: {  	_ =	shalt  }
0x7a: {  	_ =	shalt  }
0x7b: {  	_ =	shalt  }
0x7c: {  	_ =	shalt  }
0x7d: {  	_ =	shalt  }
0x7e: {  	_ =	shalt  }
0x7f: {  	_ =	shalt  }
0x80: {  	_ =	shalt  }
0x81: {  	_ =	shalt  }
0x82: {  	_ =	shalt  }
0x83: {  	_ =	shalt  }
0x84: {  	_ =	shalt  }
0x85: {  	_ =	shalt  }
0x86: {  	_ =	shalt  }
0x87: {  	_ =	shalt  }
.Lfunc_end0:
.L_simem_size_0:
called_computation.1_lowered:
.L_overlay_start_0:
0x88: {  	s2 =	sld [smem:$0x3FD9]  }
0x89: {  	s3 =	sld [smem:$0x3FFE];
	_ =	sdelay $0x1  }
0x8a: {  	s1 =	srdreg.scid  }
0x8b: {  	s0 =	sand.u32 $0x1, s1  }
0x8c: {  	s17 =	sshll.u32 s0, $0xA;
	s2 =	sadd.s32 s3, s2  }
0x8d: {  	s2 =	sadd.s32 s2, s17  }
0x8e: {  	[smem:$0x3FC1] =	sst s2  }
0x8f: {  	_ = 	snop  }
0x90: {  	s2 =	sld [smem:$0x3FD0];
	(tm) =	ssettm $0x1  }
0x91: {  	s18 =	sld [smem:$0x3FFB];
	_ =	sdelay $0x3  }
0x92: {  	_ =	strace s18  }
0x93: {  	s3 =	sld [smem:$0x3FFC];
	_ =	sdelay $0x3  }
0x94: {  	_ =	strace s3  }
0x95: {  	s3 =	sld [smem:$0x3FFD];
	_ =	sdelay $0x3  }
0x96: {  	_ =	strace s3  }
0x97: {  	_ =	strace $0x8FFFFFFF  }
0x98: {  	s19 =	sld [smem:$0x3FDB];
	_ =	sdelay $0x1  }
0x99: {  	s4 =	simm.s32 $_scs_section_size  }
0x9a: {  	s5 =	simm.s32 $_size__tile_overlayer_lowered;
	s6 =	simm.s32 $_tile_overlayer_lowered  }
0x9b: {  	s22 =	simm.s32 $0x1BFF;
	s21 =	sshll.u32 s6, $0x1;
	s3 =	sadd.s32 s4, s19  }
0x9c: {  	s7 =	simm.s32 $0x0;
	s20 =	sshll.u32 s5, $0x1;
	s5 =	sadd.s32 s21, s3  }
0x9d: {  	[timem:s7], [sflag:s22] =	dma.local [hbm:s5], s20  }
0x9e: {  	_ =	swait.ge [sflag:s22], s20  }
0x9f: {  	s4 =	ssub.s32 $0x0, s20;
	[sflag:s22] =	ssyncset.done $0x0  }
0xa0: {  	[sflag:s22] =	ssyncadd.s32 s4;
	_ =	sdelay $0x1  }
0xa1: {  	s23 =	simm.s32 $0x1B8B  }
0xa2: {  	_ =	swait.ge [sflag:s23], $0x1  }
0xa3: {  	[sflag:s23] =	ssyncset.done $0x0  }
0xa4: {  	s25 =	simm.s32 $0x1B8E;
	s24 =	sld [smem:$0x3FFE];
	[sflag:s23] =	ssyncadd.s32 $0xFFFFFFFF  }
0xa5: {  	s26 =	simm.s32 $execute0_lowered;
	[smem:$0x3FD2] =	sst s25  }
0xa6: {  	s5 =	sshll.u32 s26, $0x1;
	_ =	strace $0x80000049;
	[dreg:$0x1] =	wrdreg $0xFFFFFFFF  }
0xa7: {  	s28 =	simm.s32 $_size_execute0_lowered;
	s3 =	sadd.s32 s3, s5;
	[dreg:$0x0] =	wrdreg $0x0  }
0xa8: {  	s5 =	sshll.u32 s28, $0x1;
	[dreg:$0x2] =	wrdreg s3  }
0xa9: {  	[dreg:$0x3] =	wrdreg s5  }
0xaa: {  	[dreg:$0x4] =	wrdreg $0xC0  }
0xab: {  	_ =	task [dreg:s7], $0x5FFFF  }
0xac: {  	[dreg:$0x1] =	wrdreg $0xFFFFFFFF  }
0xad: {  	[dreg:$0x0] =	wrdreg $0x60  }
0xae: {  	[dreg:$0x2] =	wrdreg s24  }
0xaf: {  	[dreg:$0x3] =	wrdreg s2  }
0xb0: {  	[dreg:$0x4] =	wrdreg $0x14CD00  }
0xb1: {  	[dreg:$0x5] =	wrdreg $0x9  }
0xb2: {  	_ =	task.clear_ibuf [dreg:s7], $0x6FFFF;
	_ =	strace $0x90000049  }
0xb3: {  	s29 =	simm.s32 $0x9;
	_ =	strace $0x8000004B  }
0xb4: {  	_ =	swait.ge [sflag:s29], $0x1  }
0xb5: {  	[sflag:s29] =	ssyncadd.s32 $0xFFFFFFFF  }
0xb6: {  	_ =	strace $0x9000004B  }
0xb7: {  	_ =	sfence  }
0xb8: {  	s30 =	sld [smem:$0x0];
	_ =	sdelay $0x2  }
0xb9: {  	s31 =	sshll.u32 s1, $0xD;
	s1 =	sshrl.u32 s1, $0x2  }
0xba: {  	s3 =	sand.u32 $0x4000, s31;
	s1 =	sadd.s32 s1, s30  }
0xbb: {  	s0 =	sor.u32 s3, s0;
	s1 =	sshll.u32 s1, $0x11  }
0xbc: {  	s0 =	sor.u32 s1, s0  }
0xbd: {  	s0 =	sadd.s32 $0x8F2B, s0  }
0xbe: {  	[sflag:s0] =	ssyncadd.remote.s32 $0x1  }
0xbf: {  	_ =	sfence.sel $0xFFFF  }
0xc0: {  	[dreg:$0x0] =	wrdreg $0xFFFFFFFF;
	(pc) =	sbr.abs _section_cstart, $3  }
0xc1: {  	[dreg:$0x1] =	wrdreg $0xFFFFFFFF  }
0xc2: {  	_ =	task.clear_ibuf [dreg:s7], $0x2FFFF;
	_ =	strace $0x9FFFFFFF  }
0xc3: {  	(tm) =	ssettm $0x7FFFFFFF  }
tec
execute0_lowered:
.L_overlay_start_1:
0x0: {  	(tag) =	ssettag $0x1  }
0x1: {  	s1 =	srdreg.scid  }
0x2: {  	s1 =	sand.u32 $0x1, s1  }
0x3: {  	p0 =	seq.s32 s1, $0x1  }
.Ltmp0:
0x4: {  	s7 =	rddreg [dreg:$0x0];
	(pc) =	sbr.rel @p0 .LBB2_6-.Ltmp0, $4  }
0x5: {  	s3 =	rddreg [dreg:$0x1]  }
0x6: {  	s5 =	rddreg [dreg:$0x2];
	s8 =	simm.s32 $0x0  }
0x7: {  	[smem:$0x7FF] =	sst s8  }
0x8: {  	s0 =	rddreg [dreg:$0x3];
	_ =	strace $0x8000004A;
	s1 =	stileid.u32  }
0x9: {  	s4 =	smul.u32 $0x2800, s1;
	s2 =	sadd.s32 $0x25800, s5;
	p0 =	seq.s32 s1, $0xF  }
0xa: {  	s6 =	sadd.s32 $0x4B00, s3;
	s2 =	sshrl.u32 @p0 s2, $0x3;
	s9 =	simm.s32 @p0 $0x1FC2  }
0xb: {  	[spmem:s2], [sflag:s9] =	dma.local @p0 [hbm:s6], $0x320  }
0xc: {  	s25 =	smul.u32 $0x28A0, s1;
	s11 =	simm.s32 @!p0 $0x2;
	s9 =	simm.s32 @p0 $0x2  }
0xd: {  	s6 =	sshrl.u32 s4, $0x3;
	s4 =	sadd.s32 s4, s5;
	_ =	swait.ge @p0 [sflag:s9], $0x320  }
0xe: {  	s10 =	sadd.s32 s3, s6;
	s3 =	sshll.u32 @!p0 s1, $0x6;
	[sflag:s9] =	ssyncset.done @p0 $0x0  }
0xf: {  	s4 =	sshrl.u32 @!p0 s4, $0x3;
	s3 =	sor.u32 @!p0 $0x1C02, s3;
	[sflag:s9] =	ssyncadd.s32 @p0 $0xFFFFFCE0  }
0x10: {  	[spmem:s4], [sflag:s3] =	dma.local @!p0 [hbm:s10], $0x500  }
0x11: {  	_ =	swait.ge @!p0 [sflag:s11], $0x500  }
0x12: {  	s9 =	sshrl.u32 s25, $0x3;
	[sflag:s11] =	ssyncset.done @!p0 $0x0  }
0x13: {  	s10 =	sadd.s32 s9, s7;
	[sflag:s11] =	ssyncadd.s32 @!p0 $0xFFFFFB00  }
0x14: {  	s26 =	simm.s32 $0x2;
	s9 =	sadd.s32 $0xF1200, s10;
	[bflag:$0x0] =	sbarrier.arrive $0xFFFF  }
0x15: {  	[tilespmem:s8], [sflag:$0x2] =	stream.linear.gather [hbm4b:s9+s8], $0x1450, $0x38;
	[tilespmem:$0x173E0] =	vst v63  }
0x16: {  	s28 =	smul.u32 $0x4E20, s1;
	_ =	swait.ge [sflag:s26], $0x1450  }
0x17: {  	s12 =	sadd.s32 $0x1A00, s7;
	[sflag:s26] =	ssyncset.done $0x0  }
0x18: {  	s13 =	simm.s32 $0x1450;
	s11 =	sadd.s32 s12, s28;
	[sflag:s26] =	ssyncadd.s32 $0xFFFFEBB0  }
0x19: {  	[tilespmem:s13], [sflag:$0x2] =	stream.linear.gather [hbm4b:s11+s8], $0x13880, $0x38;
	[tilespmem:$0x173E0] =	vst v63  }
0x1a: {  	_ =	swait.ge [sflag:s26], $0x13880  }
0x1b: {  	[sflag:s26] =	ssyncset.done $0x0  }
0x1c: {  	s29 =	simm.s32 $0x0;
	s9 =	simm.s32 $0x64;
	[sflag:s26] =	ssyncadd.s32 $0xFFFEC780  }
0x1d: {  	[spmem:s5] =	stream.indirect.scatter.add.f32 [tilespmem:s13], [sflag:$0x1], $0x10, s29, s9, $0xb8;
	[tilespmem:$0x173E0] =	vst v63  }
0x1e: {  	s30 =	simm.s32 $0x1A90;
	s31 =	simm.s32 $0x68  }
0x1f: {  	[spmem:s5] =	stream.indirect.scatter.add.f32 [tilespmem:s30], [sflag:$0x1], $0x10, s31, s9, $0xb8;
	[tilespmem:$0x173E0] =	vst v63  }
0x20: {  	s11 =	simm.s32 $0x20D0;
	s13 =	simm.s32 $0xD0  }
0x21: {  	[spmem:s5] =	stream.indirect.scatter.add.f32 [tilespmem:s11], [sflag:$0x1], $0x10, s13, s9, $0xb8;
	[tilespmem:$0x173E0] =	vst v63  }
0x22: {  	s14 =	simm.s32 $0x2710;
	s15 =	simm.s32 $0x138  }
0x23: {  	[spmem:s5] =	stream.indirect.scatter.add.f32 [tilespmem:s14], [sflag:$0x1], $0x10, s15, s9, $0xb8;
	[tilespmem:$0x173E0] =	vst v63  }
0x24: {  	s16 =	simm.s32 $0x2D50;
	s17 =	simm.s32 $0x1A0  }
0x25: {  	[spmem:s5] =	stream.indirect.scatter.add.f32 [tilespmem:s16], [sflag:$0x1], $0x10, s17, s9, $0xb8;
	[tilespmem:$0x173E0] =	vst v63  }
0x26: {  	s18 =	simm.s32 $0x3390;
	s19 =	simm.s32 $0x208  }
0x27: {  	[spmem:s5] =	stream.indirect.scatter.add.f32 [tilespmem:s18], [sflag:$0x1], $0x10, s19, s9, $0xb8;
	[tilespmem:$0x173E0] =	vst v63  }
0x28: {  	s20 =	simm.s32 $0x39D0;
	s21 =	simm.s32 $0x270  }
0x29: {  	[spmem:s5] =	stream.indirect.scatter.add.f32 [tilespmem:s20], [sflag:$0x1], $0x10, s21, s9, $0xb8;
	[tilespmem:$0x173E0] =	vst v63  }
0x2a: {  	s22 =	simm.s32 $0x4010;
	s23 =	simm.s32 $0x2D8  }
0x2b: {  	[spmem:s5] =	stream.indirect.scatter.add.f32 [tilespmem:s22], [sflag:$0x1], $0x10, s23, s9, $0xb8;
	[tilespmem:$0x173E0] =	vst v63  }
0x2c: {  	s24 =	simm.s32 $0x4650;
	s25 =	simm.s32 $0x340  }
0x2d: {  	[spmem:s5] =	stream.indirect.scatter.add.f32 [tilespmem:s24], [sflag:$0x1], $0x10, s25, s9, $0xb8;
	[tilespmem:$0x173E0] =	vst v63  }
0x2e: {  	s28 =	simm.s32 $0x3A8;
	s8 =	simm.s32 $0x1;
	s26 =	simm.s32 $0x4C90  }
0x2f: {  	[spmem:s5] =	stream.indirect.scatter.add.f32 [tilespmem:s26], [sflag:$0x1], $0x10, s28, s9, $0xb8;
	[tilespmem:$0x173E0] =	vst v63  }
0x30: {  	_ =	swait.ge [sflag:s8], $0x640  }
0x31: {  	[sflag:s8] =	ssyncset.done $0x0  }
0x32: {  	[sflag:s8] =	ssyncadd.s32 $0xFFFFF9C0  }
0x33: {  	_ =	swait.ge [sflag:s8], $0x640  }
0x34: {  	[sflag:s8] =	ssyncset.done $0x0  }
0x35: {  	[sflag:s8] =	ssyncadd.s32 $0xFFFFF9C0  }
0x36: {  	_ =	swait.ge [sflag:s8], $0x640  }
0x37: {  	[sflag:s8] =	ssyncset.done $0x0  }
0x38: {  	[sflag:s8] =	ssyncadd.s32 $0xFFFFF9C0  }
0x39: {  	_ =	swait.ge [sflag:s8], $0x640  }
0x3a: {  	[sflag:s8] =	ssyncset.done $0x0  }
0x3b: {  	[sflag:s8] =	ssyncadd.s32 $0xFFFFF9C0  }
0x3c: {  	_ =	swait.ge [sflag:s8], $0x640  }
0x3d: {  	[sflag:s8] =	ssyncset.done $0x0  }
0x3e: {  	[sflag:s8] =	ssyncadd.s32 $0xFFFFF9C0  }
0x3f: {  	_ =	swait.ge [sflag:s8], $0x640  }
0x40: {  	[sflag:s8] =	ssyncset.done $0x0  }
0x41: {  	[sflag:s8] =	ssyncadd.s32 $0xFFFFF9C0  }
0x42: {  	_ =	swait.ge [sflag:s8], $0x640  }
0x43: {  	[sflag:s8] =	ssyncset.done $0x0  }
0x44: {  	[sflag:s8] =	ssyncadd.s32 $0xFFFFF9C0  }
0x45: {  	_ =	swait.ge [sflag:s8], $0x640  }
0x46: {  	[sflag:s8] =	ssyncset.done $0x0  }
0x47: {  	s6 =	sadd.s32 s6, s7;
	s29 =	smul.u32 $0x27100, s1;
	[sflag:s8] =	ssyncadd.s32 $0xFFFFF9C0  }
0x48: {  	s6 =	sadd.s32 $0x4FC00, s6;
	_ =	swait.ge [sflag:s8], $0x640  }
0x49: {  	s7 =	sadd.s32 $0x54700, s7;
	s30 =	sshrl.u32 s29, $0x3;
	[sflag:s8] =	ssyncset.done $0x0  }
0x4a: {  	s31 =	sadd.s32 s12, s30;
	s12 =	simm.s32 $0x52D0;
	[sflag:s8] =	ssyncadd.s32 $0xFFFFF9C0  }
0x4b: {  	s11 =	sadd.s32 $0xF148A, s10;
	s10 =	sadd.s32 $0x2710, s31;
	_ =	swait.ge [sflag:s8], $0x640  }
0x4c: {  	s13 =	simm.s32 $0x1040;
	s15 =	simm.s32 $0x2080;
	[sflag:s8] =	ssyncset.done $0x0  }
.LBB2_2:
0x4d: {  	s16 =	sshra.s32 s13, $0x2  }
0x4e: {  	[sflag:s8] =	ssyncadd.s32 $0xFFFFF9C0;
	s13 =	smov.u32 s15;
	s14 =	sadd.s32 $0x1040, s15  }
0x4f: {  	[spmem:s5] =	stream.indirect.scatter.add.f32 [tilespmem:s12], [sflag:$0x1], $0x10, s16, s9, $0xb8;
	[tilespmem:$0x173E0] =	vst v63  }
0x50: {  	p1 =	sne.s32 s15, $0x4100;
	s15 =	sadd.s32 $0x640, s12;
	s17 =	sadd.s32 $0x68, s16  }
0x51: {  	[spmem:s5] =	stream.indirect.scatter.add.f32 [tilespmem:s15], [sflag:$0x1], $0x10, s17, s9, $0xb8;
	[tilespmem:$0x173E0] =	vst v63  }
0x52: {  	s15 =	sadd.s32 $0xC80, s12;
	s17 =	sadd.s32 $0xD0, s16  }
0x53: {  	[spmem:s5] =	stream.indirect.scatter.add.f32 [tilespmem:s15], [sflag:$0x1], $0x10, s17, s9, $0xb8;
	[tilespmem:$0x173E0] =	vst v63  }
0x54: {  	s15 =	sadd.s32 $0x12C0, s12;
	s17 =	sadd.s32 $0x138, s16  }
0x55: {  	[spmem:s5] =	stream.indirect.scatter.add.f32 [tilespmem:s15], [sflag:$0x1], $0x10, s17, s9, $0xb8;
	[tilespmem:$0x173E0] =	vst v63  }
0x56: {  	s15 =	sadd.s32 $0x1900, s12;
	s17 =	sadd.s32 $0x1A0, s16  }
0x57: {  	[spmem:s5] =	stream.indirect.scatter.add.f32 [tilespmem:s15], [sflag:$0x1], $0x10, s17, s9, $0xb8;
	[tilespmem:$0x173E0] =	vst v63  }
0x58: {  	s15 =	sadd.s32 $0x1F40, s12;
	s17 =	sadd.s32 $0x208, s16  }
0x59: {  	[spmem:s5] =	stream.indirect.scatter.add.f32 [tilespmem:s15], [sflag:$0x1], $0x10, s17, s9, $0xb8;
	[tilespmem:$0x173E0] =	vst v63  }
0x5a: {  	s15 =	sadd.s32 $0x2580, s12;
	s17 =	sadd.s32 $0x270, s16  }
0x5b: {  	[spmem:s5] =	stream.indirect.scatter.add.f32 [tilespmem:s15], [sflag:$0x1], $0x10, s17, s9, $0xb8;
	[tilespmem:$0x173E0] =	vst v63  }
0x5c: {  	s15 =	sadd.s32 $0x2BC0, s12;
	s17 =	sadd.s32 $0x2D8, s16  }
0x5d: {  	[spmem:s5] =	stream.indirect.scatter.add.f32 [tilespmem:s15], [sflag:$0x1], $0x10, s17, s9, $0xb8;
	[tilespmem:$0x173E0] =	vst v63  }
0x5e: {  	s15 =	sadd.s32 $0x3200, s12;
	s17 =	sadd.s32 $0x340, s16  }
0x5f: {  	[spmem:s5] =	stream.indirect.scatter.add.f32 [tilespmem:s15], [sflag:$0x1], $0x10, s17, s9, $0xb8;
	[tilespmem:$0x173E0] =	vst v63  }
0x60: {  	s16 =	sadd.s32 $0x3A8, s16;
	s15 =	sadd.s32 $0x3840, s12  }
0x61: {  	[spmem:s5] =	stream.indirect.scatter.add.f32 [tilespmem:s15], [sflag:$0x1], $0x10, s16, s9, $0xb8;
	[tilespmem:$0x173E0] =	vst v63  }
0x62: {  	_ =	swait.ge [sflag:s8], $0x640  }
0x63: {  	[sflag:s8] =	ssyncset.done $0x0  }
0x64: {  	[sflag:s8] =	ssyncadd.s32 $0xFFFFF9C0  }
0x65: {  	_ =	swait.ge [sflag:s8], $0x640  }
0x66: {  	[sflag:s8] =	ssyncset.done $0x0  }
0x67: {  	[sflag:s8] =	ssyncadd.s32 $0xFFFFF9C0  }
0x68: {  	_ =	swait.ge [sflag:s8], $0x640  }
0x69: {  	[sflag:s8] =	ssyncset.done $0x0  }
0x6a: {  	[sflag:s8] =	ssyncadd.s32 $0xFFFFF9C0  }
0x6b: {  	_ =	swait.ge [sflag:s8], $0x640  }
0x6c: {  	[sflag:s8] =	ssyncset.done $0x0  }
0x6d: {  	[sflag:s8] =	ssyncadd.s32 $0xFFFFF9C0  }
0x6e: {  	_ =	swait.ge [sflag:s8], $0x640  }
0x6f: {  	[sflag:s8] =	ssyncset.done $0x0  }
0x70: {  	[sflag:s8] =	ssyncadd.s32 $0xFFFFF9C0  }
0x71: {  	_ =	swait.ge [sflag:s8], $0x640  }
0x72: {  	[sflag:s8] =	ssyncset.done $0x0  }
0x73: {  	[sflag:s8] =	ssyncadd.s32 $0xFFFFF9C0  }
0x74: {  	_ =	swait.ge [sflag:s8], $0x640  }
0x75: {  	[sflag:s8] =	ssyncset.done $0x0  }
0x76: {  	[sflag:s8] =	ssyncadd.s32 $0xFFFFF9C0  }
0x77: {  	_ =	swait.ge [sflag:s8], $0x640  }
0x78: {  	[sflag:s8] =	ssyncset.done $0x0  }
0x79: {  	[sflag:s8] =	ssyncadd.s32 $0xFFFFF9C0  }
.Ltmp1:
0x7a: {  	_ =	swait.ge [sflag:s8], $0x640;
	(pc) =	sbr.rel @p1 .LBB2_2-.Ltmp1, $4  }
0x7b: {  	[sflag:s8] =	ssyncset.done $0x0  }
0x7c: {  	[sflag:s8] =	ssyncadd.s32 $0xFFFFF9C0  }
0x7d: {  	_ =	swait.ge [sflag:s8], $0x640  }
0x7e: {  	s12 =	sadd.s32 $0x3E80, s12;
	s15 =	smov.u32 s14;
	[sflag:s8] =	ssyncset.done $0x0  }
0x7f: {  	s13 =	sshra.s32 s13, $0x2;
	[sflag:s8] =	ssyncadd.s32 $0xFFFFF9C0  }
0x80: {  	[spmem:s5] =	stream.indirect.scatter.add.f32 [tilespmem:s12], [sflag:$0x1], $0x10, s13, s9, $0xb8;
	[tilespmem:$0x173E0] =	vst v63  }
0x81: {  	s14 =	sadd.s32 $0x640, s12;
	s15 =	sadd.s32 $0x68, s13  }
0x82: {  	[spmem:s5] =	stream.indirect.scatter.add.f32 [tilespmem:s14], [sflag:$0x1], $0x10, s15, s9, $0xb8;
	[tilespmem:$0x173E0] =	vst v63  }
0x83: {  	s30 =	sadd.s32 $0xC80, s12;
	s31 =	sadd.s32 $0xD0, s13  }
0x84: {  	[spmem:s5] =	stream.indirect.scatter.add.f32 [tilespmem:s30], [sflag:$0x1], $0x10, s31, s9, $0xb8;
	[tilespmem:$0x173E0] =	vst v63  }
0x85: {  	s16 =	sadd.s32 $0x138, s13;
	s15 =	sadd.s32 $0x12C0, s12  }
0x86: {  	[spmem:s5] =	stream.indirect.scatter.add.f32 [tilespmem:s15], [sflag:$0x1], $0x10, s16, s9, $0xb8;
	[tilespmem:$0x173E0] =	vst v63  }
0x87: {  	s17 =	sadd.s32 $0x1900, s12;
	s18 =	sadd.s32 $0x1A0, s13  }
0x88: {  	[spmem:s5] =	stream.indirect.scatter.add.f32 [tilespmem:s17], [sflag:$0x1], $0x10, s18, s9, $0xb8;
	[tilespmem:$0x173E0] =	vst v63  }
0x89: {  	s19 =	sadd.s32 $0x1F40, s12;
	s20 =	sadd.s32 $0x208, s13  }
0x8a: {  	[spmem:s5] =	stream.indirect.scatter.add.f32 [tilespmem:s19], [sflag:$0x1], $0x10, s20, s9, $0xb8;
	[tilespmem:$0x173E0] =	vst v63  }
0x8b: {  	s21 =	sadd.s32 $0x2580, s12;
	s22 =	sadd.s32 $0x270, s13  }
0x8c: {  	[spmem:s5] =	stream.indirect.scatter.add.f32 [tilespmem:s21], [sflag:$0x1], $0x10, s22, s9, $0xb8;
	[tilespmem:$0x173E0] =	vst v63  }
0x8d: {  	s23 =	sadd.s32 $0x2BC0, s12;
	s24 =	sadd.s32 $0x2D8, s13  }
0x8e: {  	[spmem:s5] =	stream.indirect.scatter.add.f32 [tilespmem:s23], [sflag:$0x1], $0x10, s24, s9, $0xb8;
	[tilespmem:$0x173E0] =	vst v63  }
0x8f: {  	s25 =	sadd.s32 $0x3200, s12;
	s26 =	sadd.s32 $0x340, s13  }
0x90: {  	[spmem:s5] =	stream.indirect.scatter.add.f32 [tilespmem:s25], [sflag:$0x1], $0x10, s26, s9, $0xb8;
	[tilespmem:$0x173E0] =	vst v63  }
0x91: {  	s28 =	sadd.s32 $0x3840, s12;
	s13 =	sadd.s32 $0x3A8, s13  }
0x92: {  	[spmem:s5] =	stream.indirect.scatter.add.f32 [tilespmem:s28], [sflag:$0x1], $0x10, s13, s9, $0xb8;
	[tilespmem:$0x173E0] =	vst v63  }
0x93: {  	_ =	swait.ge [sflag:s8], $0x640  }
0x94: {  	[sflag:s8] =	ssyncset.done $0x0  }
0x95: {  	[sflag:s8] =	ssyncadd.s32 $0xFFFFF9C0  }
0x96: {  	_ =	swait.ge [sflag:s8], $0x640  }
0x97: {  	[sflag:s8] =	ssyncset.done $0x0  }
0x98: {  	[sflag:s8] =	ssyncadd.s32 $0xFFFFF9C0  }
0x99: {  	_ =	swait.ge [sflag:s8], $0x640  }
0x9a: {  	[sflag:s8] =	ssyncset.done $0x0  }
0x9b: {  	[sflag:s8] =	ssyncadd.s32 $0xFFFFF9C0  }
0x9c: {  	_ =	swait.ge [sflag:s8], $0x640  }
0x9d: {  	[sflag:s8] =	ssyncset.done $0x0  }
0x9e: {  	[sflag:s8] =	ssyncadd.s32 $0xFFFFF9C0  }
0x9f: {  	_ =	swait.ge [sflag:s8], $0x640  }
0xa0: {  	[sflag:s8] =	ssyncset.done $0x0  }
0xa1: {  	[sflag:s8] =	ssyncadd.s32 $0xFFFFF9C0  }
0xa2: {  	_ =	swait.ge [sflag:s8], $0x640  }
0xa3: {  	[sflag:s8] =	ssyncset.done $0x0  }
0xa4: {  	[sflag:s8] =	ssyncadd.s32 $0xFFFFF9C0  }
0xa5: {  	_ =	swait.ge [sflag:s8], $0x640  }
0xa6: {  	[sflag:s8] =	ssyncset.done $0x0  }
0xa7: {  	[sflag:s8] =	ssyncadd.s32 $0xFFFFF9C0  }
0xa8: {  	_ =	swait.ge [sflag:s8], $0x640  }
0xa9: {  	[sflag:s8] =	ssyncset.done $0x0  }
0xaa: {  	[sflag:s8] =	ssyncadd.s32 $0xFFFFF9C0  }
0xab: {  	_ =	swait.ge [sflag:s8], $0x640  }
0xac: {  	[sflag:s8] =	ssyncset.done $0x0  }
0xad: {  	[sflag:s8] =	ssyncadd.s32 $0xFFFFF9C0  }
0xae: {  	_ =	swait.ge [sflag:s8], $0x640  }
0xaf: {  	[sflag:s8] =	ssyncset.done $0x0  }
0xb0: {  	s29 =	simm.s32 $0x0;
	s30 =	simm.s32 $0x2;
	[sflag:s8] =	ssyncadd.s32 $0xFFFFF9C0  }
0xb1: {  	[tilespmem:s29], [sflag:$0x2] =	stream.linear.gather [hbm4b:s11+s29], $0x1450, $0x38;
	[tilespmem:$0x173E0] =	vst v63  }
0xb2: {  	_ =	swait.ge [sflag:s30], $0x1450  }
0xb3: {  	[sflag:s30] =	ssyncset.done $0x0  }
0xb4: {  	s31 =	simm.s32 $0x1450;
	[sflag:s30] =	ssyncadd.s32 $0xFFFFEBB0  }
0xb5: {  	[tilespmem:s31], [sflag:$0x2] =	stream.linear.gather [hbm4b:s10+s29], $0x13880, $0x38;
	[tilespmem:$0x173E0] =	vst v63  }
0xb6: {  	_ =	swait.ge [sflag:s30], $0x13880  }
0xb7: {  	[sflag:s30] =	ssyncset.done $0x0  }
0xb8: {  	s12 =	simm.s32 $0x0;
	s9 =	simm.s32 $0x64;
	[sflag:s30] =	ssyncadd.s32 $0xFFFEC780  }
0xb9: {  	[spmem:s5] =	stream.indirect.scatter.add.f32 [tilespmem:s31], [sflag:$0x1], $0x10, s12, s9, $0xb8;
	[tilespmem:$0x173E0] =	vst v63  }
0xba: {  	s14 =	simm.s32 $0x68;
	s13 =	simm.s32 $0x1A90  }
0xbb: {  	[spmem:s5] =	stream.indirect.scatter.add.f32 [tilespmem:s13], [sflag:$0x1], $0x10, s14, s9, $0xb8;
	[tilespmem:$0x173E0] =	vst v63  }
0xbc: {  	s15 =	simm.s32 $0x20D0;
	s16 =	simm.s32 $0xD0  }
0xbd: {  	[spmem:s5] =	stream.indirect.scatter.add.f32 [tilespmem:s15], [sflag:$0x1], $0x10, s16, s9, $0xb8;
	[tilespmem:$0x173E0] =	vst v63  }
0xbe: {  	s17 =	simm.s32 $0x2710;
	s18 =	simm.s32 $0x138  }
0xbf: {  	[spmem:s5] =	stream.indirect.scatter.add.f32 [tilespmem:s17], [sflag:$0x1], $0x10, s18, s9, $0xb8;
	[tilespmem:$0x173E0] =	vst v63  }
0xc0: {  	s19 =	simm.s32 $0x2D50;
	s20 =	simm.s32 $0x1A0  }
0xc1: {  	[spmem:s5] =	stream.indirect.scatter.add.f32 [tilespmem:s19], [sflag:$0x1], $0x10, s20, s9, $0xb8;
	[tilespmem:$0x173E0] =	vst v63  }
0xc2: {  	s21 =	simm.s32 $0x3390;
	s22 =	simm.s32 $0x208  }
0xc3: {  	[spmem:s5] =	stream.indirect.scatter.add.f32 [tilespmem:s21], [sflag:$0x1], $0x10, s22, s9, $0xb8;
	[tilespmem:$0x173E0] =	vst v63  }
0xc4: {  	s23 =	simm.s32 $0x39D0;
	s24 =	simm.s32 $0x270  }
0xc5: {  	[spmem:s5] =	stream.indirect.scatter.add.f32 [tilespmem:s23], [sflag:$0x1], $0x10, s24, s9, $0xb8;
	[tilespmem:$0x173E0] =	vst v63  }
0xc6: {  	s25 =	simm.s32 $0x4010;
	s26 =	simm.s32 $0x2D8  }
0xc7: {  	[spmem:s5] =	stream.indirect.scatter.add.f32 [tilespmem:s25], [sflag:$0x1], $0x10, s26, s9, $0xb8;
	[tilespmem:$0x173E0] =	vst v63  }
0xc8: {  	s28 =	simm.s32 $0x4650;
	s29 =	simm.s32 $0x340  }
0xc9: {  	[spmem:s5] =	stream.indirect.scatter.add.f32 [tilespmem:s28], [sflag:$0x1], $0x10, s29, s9, $0xb8;
	[tilespmem:$0x173E0] =	vst v63  }
0xca: {  	s8 =	simm.s32 $0x1;
	s30 =	simm.s32 $0x4C90;
	s31 =	simm.s32 $0x3A8  }
0xcb: {  	[spmem:s5] =	stream.indirect.scatter.add.f32 [tilespmem:s30], [sflag:$0x1], $0x10, s31, s9, $0xb8;
	[tilespmem:$0x173E0] =	vst v63  }
0xcc: {  	_ =	swait.ge [sflag:s8], $0x640  }
0xcd: {  	[sflag:s8] =	ssyncset.done $0x0  }
0xce: {  	[sflag:s8] =	ssyncadd.s32 $0xFFFFF9C0  }
0xcf: {  	_ =	swait.ge [sflag:s8], $0x640  }
0xd0: {  	[sflag:s8] =	ssyncset.done $0x0  }
0xd1: {  	[sflag:s8] =	ssyncadd.s32 $0xFFFFF9C0  }
0xd2: {  	_ =	swait.ge [sflag:s8], $0x640  }
0xd3: {  	[sflag:s8] =	ssyncset.done $0x0  }
0xd4: {  	[sflag:s8] =	ssyncadd.s32 $0xFFFFF9C0  }
0xd5: {  	_ =	swait.ge [sflag:s8], $0x640  }
0xd6: {  	[sflag:s8] =	ssyncset.done $0x0  }
0xd7: {  	[sflag:s8] =	ssyncadd.s32 $0xFFFFF9C0  }
0xd8: {  	_ =	swait.ge [sflag:s8], $0x640  }
0xd9: {  	[sflag:s8] =	ssyncset.done $0x0  }
0xda: {  	[sflag:s8] =	ssyncadd.s32 $0xFFFFF9C0  }
0xdb: {  	_ =	swait.ge [sflag:s8], $0x640  }
0xdc: {  	[sflag:s8] =	ssyncset.done $0x0  }
0xdd: {  	[sflag:s8] =	ssyncadd.s32 $0xFFFFF9C0  }
0xde: {  	_ =	swait.ge [sflag:s8], $0x640  }
0xdf: {  	[sflag:s8] =	ssyncset.done $0x0  }
0xe0: {  	[sflag:s8] =	ssyncadd.s32 $0xFFFFF9C0  }
0xe1: {  	_ =	swait.ge [sflag:s8], $0x640  }
0xe2: {  	[sflag:s8] =	ssyncset.done $0x0  }
0xe3: {  	[sflag:s8] =	ssyncadd.s32 $0xFFFFF9C0  }
0xe4: {  	_ =	swait.ge [sflag:s8], $0x640  }
0xe5: {  	[sflag:s8] =	ssyncset.done $0x0  }
0xe6: {  	[sflag:s8] =	ssyncadd.s32 $0xFFFFF9C0  }
0xe7: {  	s11 =	simm.s32 $0x1040;
	_ =	swait.ge [sflag:s8], $0x640  }
0xe8: {  	s10 =	simm.s32 $0x52D0;
	s13 =	simm.s32 $0x2080;
	[sflag:s8] =	ssyncset.done $0x0  }
.LBB2_4:
0xe9: {  	s14 =	sshra.s32 s11, $0x2  }
0xea: {  	[sflag:s8] =	ssyncadd.s32 $0xFFFFF9C0;
	s11 =	smov.u32 s13;
	s12 =	sadd.s32 $0x1040, s13  }
0xeb: {  	[spmem:s5] =	stream.indirect.scatter.add.f32 [tilespmem:s10], [sflag:$0x1], $0x10, s14, s9, $0xb8;
	[tilespmem:$0x173E0] =	vst v63  }
0xec: {  	p1 =	sne.s32 s13, $0x4100;
	s13 =	sadd.s32 $0x640, s10;
	s15 =	sadd.s32 $0x68, s14  }
0xed: {  	[spmem:s5] =	stream.indirect.scatter.add.f32 [tilespmem:s13], [sflag:$0x1], $0x10, s15, s9, $0xb8;
	[tilespmem:$0x173E0] =	vst v63  }
0xee: {  	s13 =	sadd.s32 $0xC80, s10;
	s15 =	sadd.s32 $0xD0, s14  }
0xef: {  	[spmem:s5] =	stream.indirect.scatter.add.f32 [tilespmem:s13], [sflag:$0x1], $0x10, s15, s9, $0xb8;
	[tilespmem:$0x173E0] =	vst v63  }
0xf0: {  	s13 =	sadd.s32 $0x12C0, s10;
	s15 =	sadd.s32 $0x138, s14  }
0xf1: {  	[spmem:s5] =	stream.indirect.scatter.add.f32 [tilespmem:s13], [sflag:$0x1], $0x10, s15, s9, $0xb8;
	[tilespmem:$0x173E0] =	vst v63  }
0xf2: {  	s13 =	sadd.s32 $0x1900, s10;
	s15 =	sadd.s32 $0x1A0, s14  }
0xf3: {  	[spmem:s5] =	stream.indirect.scatter.add.f32 [tilespmem:s13], [sflag:$0x1], $0x10, s15, s9, $0xb8;
	[tilespmem:$0x173E0] =	vst v63  }
0xf4: {  	s13 =	sadd.s32 $0x1F40, s10;
	s15 =	sadd.s32 $0x208, s14  }
0xf5: {  	[spmem:s5] =	stream.indirect.scatter.add.f32 [tilespmem:s13], [sflag:$0x1], $0x10, s15, s9, $0xb8;
	[tilespmem:$0x173E0] =	vst v63  }
0xf6: {  	s13 =	sadd.s32 $0x2580, s10;
	s15 =	sadd.s32 $0x270, s14  }
0xf7: {  	[spmem:s5] =	stream.indirect.scatter.add.f32 [tilespmem:s13], [sflag:$0x1], $0x10, s15, s9, $0xb8;
	[tilespmem:$0x173E0] =	vst v63  }
0xf8: {  	s13 =	sadd.s32 $0x2BC0, s10;
	s15 =	sadd.s32 $0x2D8, s14  }
0xf9: {  	[spmem:s5] =	stream.indirect.scatter.add.f32 [tilespmem:s13], [sflag:$0x1], $0x10, s15, s9, $0xb8;
	[tilespmem:$0x173E0] =	vst v63  }
0xfa: {  	s13 =	sadd.s32 $0x3200, s10;
	s15 =	sadd.s32 $0x340, s14  }
0xfb: {  	[spmem:s5] =	stream.indirect.scatter.add.f32 [tilespmem:s13], [sflag:$0x1], $0x10, s15, s9, $0xb8;
	[tilespmem:$0x173E0] =	vst v63  }
0xfc: {  	s14 =	sadd.s32 $0x3A8, s14;
	s13 =	sadd.s32 $0x3840, s10  }
0xfd: {  	[spmem:s5] =	stream.indirect.scatter.add.f32 [tilespmem:s13], [sflag:$0x1], $0x10, s14, s9, $0xb8;
	[tilespmem:$0x173E0] =	vst v63  }
0xfe: {  	_ =	swait.ge [sflag:s8], $0x640  }
0xff: {  	[sflag:s8] =	ssyncset.done $0x0  }
0x100: {  	[sflag:s8] =	ssyncadd.s32 $0xFFFFF9C0  }
0x101: {  	_ =	swait.ge [sflag:s8], $0x640  }
0x102: {  	[sflag:s8] =	ssyncset.done $0x0  }
0x103: {  	[sflag:s8] =	ssyncadd.s32 $0xFFFFF9C0  }
0x104: {  	_ =	swait.ge [sflag:s8], $0x640  }
0x105: {  	[sflag:s8] =	ssyncset.done $0x0  }
0x106: {  	[sflag:s8] =	ssyncadd.s32 $0xFFFFF9C0  }
0x107: {  	_ =	swait.ge [sflag:s8], $0x640  }
0x108: {  	[sflag:s8] =	ssyncset.done $0x0  }
0x109: {  	[sflag:s8] =	ssyncadd.s32 $0xFFFFF9C0  }
0x10a: {  	_ =	swait.ge [sflag:s8], $0x640  }
0x10b: {  	[sflag:s8] =	ssyncset.done $0x0  }
0x10c: {  	[sflag:s8] =	ssyncadd.s32 $0xFFFFF9C0  }
0x10d: {  	_ =	swait.ge [sflag:s8], $0x640  }
0x10e: {  	[sflag:s8] =	ssyncset.done $0x0  }
0x10f: {  	[sflag:s8] =	ssyncadd.s32 $0xFFFFF9C0  }
0x110: {  	_ =	swait.ge [sflag:s8], $0x640  }
0x111: {  	[sflag:s8] =	ssyncset.done $0x0  }
0x112: {  	[sflag:s8] =	ssyncadd.s32 $0xFFFFF9C0  }
0x113: {  	_ =	swait.ge [sflag:s8], $0x640  }
0x114: {  	[sflag:s8] =	ssyncset.done $0x0  }
0x115: {  	[sflag:s8] =	ssyncadd.s32 $0xFFFFF9C0  }
.Ltmp2:
0x116: {  	_ =	swait.ge [sflag:s8], $0x640;
	(pc) =	sbr.rel @p1 .LBB2_4-.Ltmp2, $4  }
0x117: {  	[sflag:s8] =	ssyncset.done $0x0  }
0x118: {  	[sflag:s8] =	ssyncadd.s32 $0xFFFFF9C0  }
0x119: {  	_ =	swait.ge [sflag:s8], $0x640  }
0x11a: {  	s10 =	sadd.s32 $0x3E80, s10;
	s13 =	smov.u32 s12;
	[sflag:s8] =	ssyncset.done $0x0  }
0x11b: {  	s11 =	sshra.s32 s11, $0x2;
	[sflag:s8] =	ssyncadd.s32 $0xFFFFF9C0  }
0x11c: {  	[spmem:s5] =	stream.indirect.scatter.add.f32 [tilespmem:s10], [sflag:$0x1], $0x10, s11, s9, $0xb8;
	[tilespmem:$0x173E0] =	vst v63  }
0x11d: {  	s12 =	sadd.s32 $0x640, s10;
	s13 =	sadd.s32 $0x68, s11  }
0x11e: {  	[spmem:s5] =	stream.indirect.scatter.add.f32 [tilespmem:s12], [sflag:$0x1], $0x10, s13, s9, $0xb8;
	[tilespmem:$0x173E0] =	vst v63  }
0x11f: {  	s16 =	sadd.s32 $0xC80, s10;
	s17 =	sadd.s32 $0xD0, s11  }
0x120: {  	[spmem:s5] =	stream.indirect.scatter.add.f32 [tilespmem:s16], [sflag:$0x1], $0x10, s17, s9, $0xb8;
	[tilespmem:$0x173E0] =	vst v63  }
0x121: {  	s18 =	sadd.s32 $0x12C0, s10;
	s19 =	sadd.s32 $0x138, s11  }
0x122: {  	[spmem:s5] =	stream.indirect.scatter.add.f32 [tilespmem:s18], [sflag:$0x1], $0x10, s19, s9, $0xb8;
	[tilespmem:$0x173E0] =	vst v63  }
0x123: {  	s20 =	sadd.s32 $0x1900, s10;
	s21 =	sadd.s32 $0x1A0, s11  }
0x124: {  	[spmem:s5] =	stream.indirect.scatter.add.f32 [tilespmem:s20], [sflag:$0x1], $0x10, s21, s9, $0xb8;
	[tilespmem:$0x173E0] =	vst v63  }
0x125: {  	s22 =	sadd.s32 $0x1F40, s10;
	s23 =	sadd.s32 $0x208, s11  }
0x126: {  	[spmem:s5] =	stream.indirect.scatter.add.f32 [tilespmem:s22], [sflag:$0x1], $0x10, s23, s9, $0xb8;
	[tilespmem:$0x173E0] =	vst v63  }
0x127: {  	s24 =	sadd.s32 $0x2580, s10;
	s25 =	sadd.s32 $0x270, s11  }
0x128: {  	[spmem:s5] =	stream.indirect.scatter.add.f32 [tilespmem:s24], [sflag:$0x1], $0x10, s25, s9, $0xb8;
	[tilespmem:$0x173E0] =	vst v63  }
0x129: {  	s26 =	sadd.s32 $0x2BC0, s10;
	s28 =	sadd.s32 $0x2D8, s11  }
0x12a: {  	[spmem:s5] =	stream.indirect.scatter.add.f32 [tilespmem:s26], [sflag:$0x1], $0x10, s28, s9, $0xb8;
	[tilespmem:$0x173E0] =	vst v63  }
0x12b: {  	s29 =	sadd.s32 $0x3200, s10;
	s30 =	sadd.s32 $0x340, s11  }
0x12c: {  	[spmem:s5] =	stream.indirect.scatter.add.f32 [tilespmem:s29], [sflag:$0x1], $0x10, s30, s9, $0xb8;
	[tilespmem:$0x173E0] =	vst v63  }
0x12d: {  	s31 =	sadd.s32 $0x3840, s10;
	s11 =	sadd.s32 $0x3A8, s11  }
0x12e: {  	[spmem:s5] =	stream.indirect.scatter.add.f32 [tilespmem:s31], [sflag:$0x1], $0x10, s11, s9, $0xb8;
	[tilespmem:$0x173E0] =	vst v63  }
0x12f: {  	_ =	swait.ge [sflag:s8], $0x640  }
0x130: {  	[sflag:s8] =	ssyncset.done $0x0  }
0x131: {  	[sflag:s8] =	ssyncadd.s32 $0xFFFFF9C0  }
0x132: {  	_ =	swait.ge [sflag:s8], $0x640  }
0x133: {  	[sflag:s8] =	ssyncset.done $0x0  }
0x134: {  	[sflag:s8] =	ssyncadd.s32 $0xFFFFF9C0  }
0x135: {  	_ =	swait.ge [sflag:s8], $0x640  }
0x136: {  	[sflag:s8] =	ssyncset.done $0x0  }
0x137: {  	[sflag:s8] =	ssyncadd.s32 $0xFFFFF9C0  }
0x138: {  	_ =	swait.ge [sflag:s8], $0x640  }
0x139: {  	[sflag:s8] =	ssyncset.done $0x0  }
0x13a: {  	[sflag:s8] =	ssyncadd.s32 $0xFFFFF9C0  }
0x13b: {  	_ =	swait.ge [sflag:s8], $0x640  }
0x13c: {  	[sflag:s8] =	ssyncset.done $0x0  }
0x13d: {  	[sflag:s8] =	ssyncadd.s32 $0xFFFFF9C0  }
0x13e: {  	_ =	swait.ge [sflag:s8], $0x640  }
0x13f: {  	[sflag:s8] =	ssyncset.done $0x0  }
0x140: {  	[sflag:s8] =	ssyncadd.s32 $0xFFFFF9C0  }
0x141: {  	_ =	swait.ge [sflag:s8], $0x640  }
0x142: {  	[sflag:s8] =	ssyncset.done $0x0  }
0x143: {  	[sflag:s8] =	ssyncadd.s32 $0xFFFFF9C0  }
0x144: {  	_ =	swait.ge [sflag:s8], $0x640  }
0x145: {  	[sflag:s8] =	ssyncset.done $0x0  }
0x146: {  	[sflag:s8] =	ssyncadd.s32 $0xFFFFF9C0  }
0x147: {  	_ =	swait.ge [sflag:s8], $0x640  }
0x148: {  	[sflag:s8] =	ssyncset.done $0x0  }
0x149: {  	[sflag:s8] =	ssyncadd.s32 $0xFFFFF9C0  }
0x14a: {  	_ =	swait.ge [sflag:s8], $0x640  }
0x14b: {  	[sflag:s8] =	ssyncset.done $0x0  }
0x14c: {  	[sflag:s8] =	ssyncadd.s32 $0xFFFFF9C0  }
0x14d: {  	s5 =	simm.s32 @p0 $0x1FC2;
	[bflag:$0x0] =	sbarrier.arrive $0xFFFF  }
0x14e: {  	[hbm:s7], [sflag:s5] =	dma.local @p0 [spmem:s2], $0x320  }
0x14f: {  	s2 =	simm.s32 @p0 $0x2  }
0x150: {  	_ =	swait.ge @p0 [sflag:s2], $0x320  }
0x151: {  	[sflag:s2] =	ssyncset.done @p0 $0x0  }
0x152: {  	[sflag:s2] =	ssyncadd.s32 @p0 $0xFFFFFCE0;
	s2 =	simm.s32 @!p0 $0x2  }
0x153: {  	[hbm:s6], [sflag:s3] =	dma.local @!p0 [spmem:s4], $0x500  }
0x154: {  	_ =	swait.ge @!p0 [sflag:s2], $0x500  }
0x155: {  	[sflag:s2] =	ssyncset.done @!p0 $0x0  }
0x156: {  	[sflag:s2] =	ssyncadd.s32 @!p0 $0xFFFFFB00  }
.LBB2_6:
0x157: {  	_ =	sfence.sel $0x180000  }
0x158: {  	[bflag:$0x0] =	sbarrier.arrive $0xFFFF  }
0x159: {  	p0 =	sne.s32 s1, $0x0;
	_ =	strace $0x9000004A  }
0x15a: {  	s0 =	sadd.s32 @!p0 $0x100000, s0;
	[bflag:$0x2] =	sbarrier.arrive $0xFFFF  }
0x15b: {  	[sflag:s0] =	ssyncadd.tile.s32 @!p0 $0x1;
	_ =	shalt  }
.Lfunc_end2:
_tile_overlayer_lowered:
.L_overlay_start_2:
0x15c: {  	(tag) =	ssettag $0x2  }
0x15d: {  	s0 =	rddreg [dreg:$0x0];
	s2 =	stileid.u32  }
0x15e: {  	s1 =	rddreg [dreg:$0x1];
	p0 =	sne.s32 s2, $0x0  }
0x15f: {  	s3 =	rddreg [dreg:$0x2];
	[bflag:$0x3] =	sbarrier.arrive $0xFFFF;
	s2 =	simm.s32 @!p0 $0x1C02  }
0x160: {  	[timem:s3], [sflag:s2] =	dma.local @!p0 [hbm:s0], s1  }
0x161: {  	s0 =	simm.s32 @!p0 $0x2  }
0x162: {  	_ =	swait.ge @!p0 [sflag:s0], s1  }
0x163: {  	s1 =	ssub.s32 @!p0 $0x0, s1;
	[sflag:s0] =	ssyncset.done @!p0 $0x0  }
0x164: {  	[sflag:s0] =	ssyncadd.s32 @!p0 s1  }
0x165: {  	[bflag:$0x3] =	sbarrier.arrive $0xFFFF  }
0x166: {  	_ =	shalt  }

</sc_bundles>
